<compile_context>
chip_gen: v7x
topology: tpu7x:2x2x1
jax: 0.10.2.dev20260603
libtpu: 0.0.44.dev20260713+nightly
codegen_flags: <defaults>
</compile_context>

<pallas_src>
import jax
import jax.numpy as jnp
import numpy as np
from jax.experimental import pallas as pl

_B, _C, _N, _K, _M, _H = 4, 128, 2048, 32, 1024, 4
_DEPTH = _C // _H
_RB = 256
_NB = 128


def _pairwise_kernel(xr_ref, xf_ref, o_ref):
    xr = xr_ref[0]
    xf = xf_ref[0]
    d = jax.lax.dot_general(xr, xf, (((0,), (0,)), ((), ())),
                            preferred_element_type=jnp.float32)
    inner = -2.0 * d
    xx_f = jnp.sum(xf * xf, axis=0, keepdims=True)
    xx_r = jnp.sum(xr * xr, axis=0, keepdims=True)
    t1 = -xx_r.reshape(_RB, 1)
    o_ref[0] = (t1 - inner) - xx_f


def _pairwise(x):
    return pl.pallas_call(
        _pairwise_kernel,
        grid=(_B, _N // _RB),
        in_specs=[
            pl.BlockSpec((1, _C, _RB), lambda b, j: (b, 0, j)),
            pl.BlockSpec((1, _C, _N), lambda b, j: (b, 0, 0)),
        ],
        out_specs=pl.BlockSpec((1, _RB, _N), lambda b, j: (b, j, 0)),
        out_shape=jax.ShapeDtypeStruct((_B, _N, _N), jnp.float32),
    )(x, x)


def _knn_kernel(xr_ref, xf_ref, idx_ref):
    xr = xr_ref[0]
    xf = xf_ref[0]
    d = jax.lax.dot_general(xr, xf, (((0,), (0,)), ((), ())),
                            preferred_element_type=jnp.float32)
    inner = -2.0 * d
    xx_f = jnp.sum(xf * xf, axis=0, keepdims=True)
    xx_r = jnp.sum(xr * xr, axis=0, keepdims=True)
    t1 = -xx_r.reshape(_RB, 1)
    p = (t1 - inner) - xx_f

    lane = jax.lax.broadcasted_iota(jnp.int32, (_RB, _N), 1)
    col = jax.lax.broadcasted_iota(jnp.int32, (_RB, _K), 1)

    def body(kk, carry):
        p, acc = carry
        m = jnp.max(p, axis=1, keepdims=True)
        cand = jnp.where(p == m, lane, _N)
        amin = jnp.min(cand, axis=1, keepdims=True)
        acc = jnp.where(col == kk, amin, acc)
        p = jnp.where(lane == amin, -jnp.inf, p)
        return p, acc

    _, acc = jax.lax.fori_loop(
        0, _K, body, (p, jnp.zeros((_RB, _K), jnp.int32)))
    idx_ref[0] = acc


def _knn(x):
    return pl.pallas_call(
        _knn_kernel,
        grid=(_B, _N // _RB),
        in_specs=[
            pl.BlockSpec((1, _C, _RB), lambda b, j: (b, 0, j)),
            pl.BlockSpec((1, _C, _N), lambda b, j: (b, 0, 0)),
        ],
        out_specs=pl.BlockSpec((1, _RB, _K), lambda b, j: (b, j, 0)),
        out_shape=jax.ShapeDtypeStruct((_B, _N, _K), jnp.int32),
    )(x, x)


_INV_SQRT_D = float(np.float32(1.0) / np.sqrt(np.float32(_DEPTH)))
_INV_K = float(np.float32(1.0) / np.float32(_K))
_LOG2E = float(np.float32(1.4426950408889634))


def _attn_kernel(xb_ref, xf_ref, idxt_ref, wq_ref, wk_ref, wv_ref,
                 out_ref, aps_ref):
    xb = xb_ref[0]
    xf = xf_ref[0]
    idxt = idxt_ref[0]
    wq = wq_ref[...]
    wk = wk_ref[...]

    slabs = []
    for kk in range(_K):
        ids = idxt[kk:kk + 1, :]
        row = jax.lax.broadcasted_iota(jnp.int32, (_N, _NB), 0)
        oh = jnp.where(row == ids, 1.0, 0.0).astype(jnp.float32)
        slabs.append(jax.lax.dot_general(
            xf, oh, (((1,), (0,)), ((), ())),
            precision=jax.lax.Precision.HIGHEST,
            preferred_element_type=jnp.float32))
    neigh = jnp.concatenate(slabs, axis=1)
    center = jnp.concatenate([xb] * _K, axis=1)
    diff = neigh - center

    k = jax.lax.dot_general(wk, diff, (((1,), (0,)), ((), ())),
                            preferred_element_type=jnp.float32)
    q = jax.lax.dot_general(wq, xb, (((1,), (0,)), ((), ())),
                            preferred_element_type=jnp.float32)
    qrep = jnp.concatenate([q] * _K, axis=1)
    prod = qrep * k
    e = jnp.sum(prod.reshape(_H, _DEPTH, _K * _NB), axis=1)
    e = e.reshape(_H, _K, _NB)
    et = jnp.transpose(e, (0, 2, 1))

    es = et * jnp.float32(_INV_SQRT_D)
    m = jnp.max(es, axis=-1, keepdims=True)
    p = jnp.exp2((es - m) * jnp.float32(_LOG2E))
    s = jnp.sum(p, axis=-1, keepdims=True)
    attn = p * pl.reciprocal(s, approx=True)
    attn_t = jnp.transpose(attn, (0, 2, 1))
    mean_t = jnp.sum(attn_t, axis=1, keepdims=True) * jnp.float32(_INV_K)
    dev_t = attn_t - mean_t
    var = jnp.sum(dev_t * dev_t, axis=1) * jnp.float32(_INV_K)
    aps = jnp.sqrt(var)
    aps_ref[0] = aps

    wv = wv_ref[...]
    v = jax.lax.dot_general(wv, diff, (((1,), (0,)), ((), ())),
                            preferred_element_type=jnp.float32)
    out = jnp.zeros((_C, _NB), jnp.float32)
    for kk in range(_K):
        a_kk = attn_t[:, kk:kk + 1, :]
        a_b = jnp.broadcast_to(a_kk, (_H, _DEPTH, _NB)).reshape(_C, _NB)
        out = out + a_b * v[:, kk * _NB:(kk + 1) * _NB]
    out_ref[0] = out


def _attention(x, idx_t, Wq, Wk, Wv):
    return pl.pallas_call(
        _attn_kernel,
        grid=(_B, _N // _NB),
        in_specs=[
            pl.BlockSpec((1, _C, _NB), lambda b, j: (b, 0, j)),
            pl.BlockSpec((1, _C, _N), lambda b, j: (b, 0, 0)),
            pl.BlockSpec((1, _K, _NB), lambda b, j: (b, 0, j)),
            pl.BlockSpec((_C, _C), lambda b, j: (0, 0)),
            pl.BlockSpec((_C, _C), lambda b, j: (0, 0)),
            pl.BlockSpec((_C, _C), lambda b, j: (0, 0)),
        ],
        out_specs=[
            pl.BlockSpec((1, _C, _NB), lambda b, j: (b, 0, j)),
            pl.BlockSpec((1, _H, _NB), lambda b, j: (b, 0, j)),
        ],
        out_shape=[
            jax.ShapeDtypeStruct((_B, _C, _N), jnp.float32),
            jax.ShapeDtypeStruct((_B, _H, _N), jnp.float32),
        ],
    )(x, x, idx_t, Wq, Wk, Wv)


def _split_heads(t):
    b, c, n, l = t.shape
    t = t.reshape(b, _H, c // _H, n, l)
    return jnp.transpose(t, (0, 1, 3, 4, 2))


def kernel(x, Wq, Wk, Wv):
    B, C, N, K, M, H = _B, _C, _N, _K, _M, _H
    DEPTH = _DEPTH
    idx_nn = _knn(x)
    idx_t = jnp.transpose(idx_nn, (0, 2, 1)).astype(jnp.int32)
    out_full, aps = _attention(x, idx_t, Wq, Wk, Wv)
    _, idx_top = jax.lax.top_k(aps, M)
    _, idx_drop = jax.lax.top_k(-aps, N - M)

    out_h = out_full.reshape(B, H, DEPTH, N)

    def _gather(idx, m):
        ii = jnp.broadcast_to(idx[:, :, None, :], (B, H, DEPTH, m))
        sel = jnp.take_along_axis(out_h, ii, axis=3)
        return sel.reshape(B, C, m)

    x_ds = _gather(idx_top, M)
    x_drop = _gather(idx_drop, N - M)
    return ((x_ds, idx_top), (x_drop, idx_drop))

# --- scband reference (transcript-rebuilt; emitter-appended) ---
"""Pipeline reference for scband-down-sample-with-sigma-52913997087002 (READ-ONLY COPY).

The authoritative reference and input builder live on the scoring server;
editing this copy changes nothing except your own understanding.
"""

import jax, jax.numpy as jnp
import numpy as np

B, C, N, K, M, H = 4, 128, 2048, 32, 1024, 4
DEPTH = C // H

def setup_inputs(seed: int = 0):
    key = jax.random.key(seed)
    k1, k2, k3, k4 = jax.random.split(key, 4)
    x = jax.random.normal(k1, (B, C, N), dtype=jnp.float32)
    Wq = jax.random.normal(k2, (C, C), dtype=jnp.float32) * 0.05
    Wk = jax.random.normal(k3, (C, C), dtype=jnp.float32) * 0.05
    Wv = jax.random.normal(k4, (C, C), dtype=jnp.float32) * 0.05
    return {"x": x, "Wq": Wq, "Wk": Wk, "Wv": Wv}

def _knn_idx(x, k):
    # x: (B,C,N); standard DGCNN-style kNN in feature space
    inner = -2.0 * jnp.einsum('bcn,bcm->bnm', x, x)
    xx = jnp.sum(x * x, axis=1)  # (B,N)
    pairwise = -xx[:, :, None] - inner - xx[:, None, :]
    _, idx = jax.lax.top_k(pairwise, k)  # (B,N,K)
    return idx

def _split_heads(t):
    # t: (B,Cout,N,L) -> (B,H,N,L,depth)
    b, c, n, l = t.shape
    t = t.reshape(b, H, c // H, n, l)
    return jnp.transpose(t, (0, 1, 3, 4, 2))

def _forward(x, Wq, Wk, Wv):
    idx_nn = _knn_idx(x, K)  # (B,N,K) int
    idx_nn = jax.lax.stop_gradient(idx_nn)
    neigh = jax.vmap(lambda xb, ib: xb[:, ib])(x, idx_nn)  # (B,C,N,K)
    diff = neigh - x[:, :, :, None]  # group_type='diff' (asm='dot')
    q = jnp.einsum('oc,bcn->bon', Wq, x)[:, :, :, None]   # 1x1 conv -> (B,C,N,1)
    k = jnp.einsum('oc,bcnk->bonk', Wk, diff)             # (B,C,N,K)
    v = jnp.einsum('oc,bcnk->bonk', Wv, diff)             # (B,C,N,K)
    q = _split_heads(q)                     # (B,H,N,1,depth)
    k = _split_heads(k)                     # (B,H,N,K,depth)
    v = _split_heads(v)                     # (B,H,N,K,depth)
    k = jnp.transpose(k, (0, 1, 2, 4, 3))   # (B,H,N,depth,K)
    energy = jnp.einsum('bhnld,bhndk->bhnlk', q, k)  # (B,H,N,1,K)
    attn = jax.nn.softmax(energy / jnp.sqrt(float(DEPTH)), axis=-1)
    aps = jnp.std(attn, axis=-1)[:, :, :, 0]  # (B,H,N), unbiased=False
    _, idx_top = jax.lax.top_k(aps, M)          # (B,H,M) largest
    _, idx_drop = jax.lax.top_k(-aps, N - M)    # smallest, ascending in aps
    def _gather(att, vv, idx, m):
        ia = jnp.broadcast_to(idx[:, :, :, None, None], (B, H, m, 1, K))
        a_sel = jnp.take_along_axis(att, ia, axis=2)        # (B,H,m,1,K)
        iv = jnp.broadcast_to(idx[:, :, :, None, None], (B, H, m, K, DEPTH))
        v_sel = jnp.take_along_axis(vv, iv, axis=2)          # (B,H,m,K,depth)
        out = jnp.einsum('bhmlk,bhmkd->bhmld', a_sel, v_sel)[:, :, :, 0, :]  # (B,H,m,depth)
        out = jnp.transpose(out, (0, 2, 1, 3)).reshape(B, m, H * DEPTH)
        return jnp.transpose(out, (0, 2, 1))  # (B,C,m)
    x_ds = _gather(attn, v, idx_top, M)
    x_drop = _gather(attn, v, idx_drop, N - M)
    return x_ds, idx_top, x_drop, idx_drop

def reference(x, Wq, Wk, Wv):
    x_ds, idx_top, x_drop, idx_drop = _forward(x, Wq, Wk, Wv)
    return ((x_ds, idx_top), (x_drop, idx_drop))

if __name__ == "__main__":
    import jax
    _d = setup_inputs()
    print(jax.jit(kernel)(*tuple(_d.values())))

</pallas_src>

<mosaic_0001>
module attributes {stable_mosaic.version = 14 : i64} {
  func.func @_knn_kernel(%arg0: i32, %arg1: i32, %arg2: memref<1x128x256xf32, #tpu.memory_space<vmem>>, %arg3: memref<1x128x2048xf32, #tpu.memory_space<vmem>>, %arg4: memref<1x256x32xi32, #tpu.memory_space<vmem>>) attributes {dimension_semantics = [#tpu.dimension_semantics<arbitrary>, #tpu.dimension_semantics<arbitrary>], iteration_bounds = array<i64: 4, 8>, scalar_prefetch = 0 : i64, scratch_operands = 0 : i64, tpu.core_type = #tpu.core_type<tc>, window_params = [{transform_indices = @transform_0, window_bounds = array<i64: 1, 128, 256>}, {transform_indices = @transform_1, window_bounds = array<i64: 1, 128, 2048>}, {transform_indices = @transform_2, window_bounds = array<i64: 1, 256, 32>}]} {
    %get3A = arith.constant 0 : index
    %get3A_0 = arith.constant 0 : index
    %get3A_1 = arith.constant 0 : index
    %get3A_2 = vector.load %arg2[%get3A, %get3A_0, %get3A_1] : memref<1x128x256xf32, #tpu.memory_space<vmem>>, vector<1x128x256xf32>
    %get3A_3 = vector.shape_cast %get3A_2 : vector<1x128x256xf32> to vector<128x256xf32>
    %get3A_4 = arith.constant 0 : index
    %get3A_5 = arith.constant 0 : index
    %get3A_6 = arith.constant 0 : index
    %get3A_7 = vector.load %arg3[%get3A_4, %get3A_5, %get3A_6] : memref<1x128x2048xf32, #tpu.memory_space<vmem>>, vector<1x128x2048xf32>
    %get3A_8 = vector.shape_cast %get3A_7 : vector<1x128x2048xf32> to vector<128x2048xf32>
    %dot_general3A = arith.constant dense<0.000000e+00> : vector<256x2048xf32>
    %dot_general3A_9 = tpu.matmul %get3A_3, %get3A_8, %dot_general3A {dimension_numbers = #tpu.dot_dimension_numbers<[0], [0], [1], [1], [0, 1, 1, 1], [], []>, transpose_lhs_hint = false} : vector<128x256xf32>, vector<128x2048xf32>, vector<256x2048xf32> -> vector<256x2048xf32>
    %mul3A = arith.constant -2.000000e+00 : f32
    %mul3A_10 = vector.broadcast %mul3A : f32 to vector<256x2048xf32>
    %mul3A_11 = arith.mulf %mul3A_10, %dot_general3A_9 : vector<256x2048xf32>
    %mul3A_12 = arith.mulf %get3A_8, %get3A_8 : vector<128x2048xf32>
    %reduce_sum3A = arith.constant dense<0.000000e+00> : vector<2048xf32>
    %reduce_sum3A_13 = vector.multi_reduction <add>, %mul3A_12, %reduce_sum3A [0] : vector<128x2048xf32> to vector<2048xf32>
    %broadcast_in_dim3A = vector.shape_cast %reduce_sum3A_13 : vector<2048xf32> to vector<1x2048xf32>
    %mul3A_14 = arith.mulf %get3A_3, %get3A_3 : vector<128x256xf32>
    %reduce_sum3A_15 = arith.constant dense<0.000000e+00> : vector<256xf32>
    %reduce_sum3A_16 = vector.multi_reduction <add>, %mul3A_14, %reduce_sum3A_15 [0] : vector<128x256xf32> to vector<256xf32>
    %broadcast_in_dim3A_17 = vector.shape_cast %reduce_sum3A_16 : vector<256xf32> to vector<1x256xf32>
    %reshape3A = vector.shape_cast %broadcast_in_dim3A_17 : vector<1x256xf32> to vector<256x1xf32>
    %neg3A = arith.constant 0.000000e+00 : f32
    %neg3A_18 = vector.broadcast %neg3A : f32 to vector<256x1xf32>
    %neg3A_19 = arith.subf %neg3A_18, %reshape3A : vector<256x1xf32>
    %sub3A = vector.broadcast %neg3A_19 : vector<256x1xf32> to vector<256x2048xf32>
    %sub3A_20 = arith.subf %sub3A, %mul3A_11 : vector<256x2048xf32>
    %sub3A_21 = vector.broadcast %broadcast_in_dim3A : vector<1x2048xf32> to vector<256x2048xf32>
    %sub3A_22 = arith.subf %sub3A_20, %sub3A_21 : vector<256x2048xf32>
    %iota3A = tpu.iota {dimensions = array<i32: 1>} : vector<256x2048xi32>
    %iota3A_23 = tpu.iota {dimensions = array<i32: 1>} : vector<256x32xi32>
    %broadcast_in_dim3A_24 = arith.constant 0 : i32
    %broadcast_in_dim3A_25 = vector.broadcast %broadcast_in_dim3A_24 : i32 to vector<256x32xi32>
    %scan3A = arith.constant 0 : i32
    %scan3A_26 = arith.constant 32 : i32
    %scan3A_27 = arith.addi %scan3A, %scan3A_26 : i32
    %scan3A_28 = arith.constant 1 : i32
    %scan3A_29:2 = scf.for %scan3A_36 = %scan3A to %scan3A_27 step %scan3A_28 iter_args(%scan3A_37 = %sub3A_22, %scan3A_38 = %broadcast_in_dim3A_25) -> (vector<256x2048xf32>, vector<256x32xi32>)  : i32 {
      %reduce_max3A = arith.constant dense<0xFF800000> : vector<256xf32>
      %reduce_max3A_39 = vector.multi_reduction <maximumf>, %scan3A_37, %reduce_max3A [1] : vector<256x2048xf32> to vector<256xf32>
      %broadcast_in_dim3A_40 = vector.shape_cast %reduce_max3A_39 : vector<256xf32> to vector<256x1xf32>
      %eq3A = vector.broadcast %broadcast_in_dim3A_40 : vector<256x1xf32> to vector<256x2048xf32>
      %eq3A_41 = arith.cmpf oeq, %scan3A_37, %eq3A : vector<256x2048xf32>
      %jit3A = arith.constant 2048 : i32
      %broadcast_in_dim3A_42 = vector.broadcast %jit3A : i32 to vector<256x2048xi32>
      %select_n3A = arith.select %eq3A_41, %iota3A, %broadcast_in_dim3A_42 : vector<256x2048xi1>, vector<256x2048xi32>
      %reduce_min3A = arith.constant dense<2147483647> : vector<256xi32>
      %reduce_min3A_43 = vector.multi_reduction <minsi>, %select_n3A, %reduce_min3A [1] : vector<256x2048xi32> to vector<256xi32>
      %broadcast_in_dim3A_44 = vector.shape_cast %reduce_min3A_43 : vector<256xi32> to vector<256x1xi32>
      %eq3A_45 = vector.broadcast %scan3A_36 : i32 to vector<256x32xi32>
      %eq3A_46 = arith.cmpi eq, %iota3A_23, %eq3A_45 : vector<256x32xi32>
      %broadcast_in_dim3A_47 = vector.shape_cast %broadcast_in_dim3A_44 : vector<256x1xi32> to vector<256x1xi32>
      %broadcast_in_dim3A_48 = vector.broadcast %broadcast_in_dim3A_47 : vector<256x1xi32> to vector<256x32xi32>
      %select_n3A_49 = arith.select %eq3A_46, %broadcast_in_dim3A_48, %scan3A_38 : vector<256x32xi1>, vector<256x32xi32>
      %eq3A_50 = vector.broadcast %broadcast_in_dim3A_44 : vector<256x1xi32> to vector<256x2048xi32>
      %eq3A_51 = arith.cmpi eq, %iota3A, %eq3A_50 : vector<256x2048xi32>
      %jit3A_52 = arith.constant 0xFF800000 : f32
      %broadcast_in_dim3A_53 = vector.broadcast %jit3A_52 : f32 to vector<256x2048xf32>
      %select_n3A_54 = arith.select %eq3A_51, %broadcast_in_dim3A_53, %scan3A_37 : vector<256x2048xi1>, vector<256x2048xf32>
      scf.yield %select_n3A_54, %select_n3A_49 : vector<256x2048xf32>, vector<256x32xi32>
    }
    %scan3A_30 = arith.constant 32 : i32
    %swap3A = arith.constant 0 : index
    %swap3A_31 = arith.constant 0 : index
    %swap3A_32 = arith.constant 0 : index
    %swap3A_33 = vector.load %arg4[%swap3A, %swap3A_31, %swap3A_32] : memref<1x256x32xi32, #tpu.memory_space<vmem>>, vector<1x256x32xi32>
    %swap3A_34 = vector.shape_cast %swap3A_33 : vector<1x256x32xi32> to vector<256x32xi32>
    %swap3A_35 = vector.shape_cast %scan3A_29#1 : vector<256x32xi32> to vector<1x256x32xi32>
    tpu.vector_store %arg4[%swap3A, %swap3A_31, %swap3A_32], %swap3A_35 {strides = array<i32>} : memref<1x256x32xi32, #tpu.memory_space<vmem>>, vector<1x256x32xi32>,
    return
  }
  func.func @transform_0(%arg0: i32, %arg1: i32) -> (i32, i32, i32) {
    %c0_i32 = arith.constant 0 : i32
    %c0_i32_0 = arith.constant 0 : i32
    return %arg0, %c0_i32, %arg1 : i32, i32, i32
  }
  func.func @transform_1(%arg0: i32, %arg1: i32) -> (i32, i32, i32) {
    %c0_i32 = arith.constant 0 : i32
    %c0_i32_0 = arith.constant 0 : i32
    %c0_i32_1 = arith.constant 0 : i32
    return %arg0, %c0_i32, %c0_i32_0 : i32, i32, i32
  }
  func.func @transform_2(%arg0: i32, %arg1: i32) -> (i32, i32, i32) {
    %c0_i32 = arith.constant 0 : i32
    %c0_i32_0 = arith.constant 0 : i32
    return %arg0, %arg1, %c0_i32 : i32, i32, i32
  }
}

module attributes {stable_mosaic.version = 14 : i64} {
  func.func @_attn_kernel(%arg0: i32, %arg1: i32, %arg2: memref<1x128x128xf32, #tpu.memory_space<vmem>>, %arg3: memref<1x128x2048xf32, #tpu.memory_space<vmem>>, %arg4: memref<1x32x128xi32, #tpu.memory_space<vmem>>, %arg5: memref<128x128xf32, #tpu.memory_space<vmem>>, %arg6: memref<128x128xf32, #tpu.memory_space<vmem>>, %arg7: memref<128x128xf32, #tpu.memory_space<vmem>>, %arg8: memref<1x128x128xf32, #tpu.memory_space<vmem>>, %arg9: memref<1x4x128xf32, #tpu.memory_space<vmem>>) attributes {dimension_semantics = [#tpu.dimension_semantics<arbitrary>, #tpu.dimension_semantics<arbitrary>], iteration_bounds = array<i64: 4, 16>, scalar_prefetch = 0 : i64, scratch_operands = 0 : i64, tpu.core_type = #tpu.core_type<tc>, window_params = [{transform_indices = @transform_0, window_bounds = array<i64: 1, 128, 128>}, {transform_indices = @transform_1, window_bounds = array<i64: 1, 128, 2048>}, {transform_indices = @transform_2, window_bounds = array<i64: 1, 32, 128>}, {pipeline_mode = #tpu.pipeline_mode<synchronous>, transform_indices = @transform_3, window_bounds = array<i64: 128, 128>}, {pipeline_mode = #tpu.pipeline_mode<synchronous>, transform_indices = @transform_4, window_bounds = array<i64: 128, 128>}, {pipeline_mode = #tpu.pipeline_mode<synchronous>, transform_indices = @transform_5, window_bounds = array<i64: 128, 128>}, {transform_indices = @transform_6, window_bounds = array<i64: 1, 128, 128>}, {transform_indices = @transform_7, window_bounds = array<i64: 1, 4, 128>}]} {
    %get3A = arith.constant 0 : index
    %get3A_0 = arith.constant 0 : index
    %get3A_1 = arith.constant 0 : index
    %get3A_2 = vector.load %arg2[%get3A, %get3A_0, %get3A_1] : memref<1x128x128xf32, #tpu.memory_space<vmem>>, vector<1x128x128xf32>
    %get3A_3 = vector.shape_cast %get3A_2 : vector<1x128x128xf32> to vector<128x128xf32>
    %get3A_4 = arith.constant 0 : index
    %get3A_5 = arith.constant 0 : index
    %get3A_6 = arith.constant 0 : index
    %get3A_7 = vector.load %arg3[%get3A_4, %get3A_5, %get3A_6] : memref<1x128x2048xf32, #tpu.memory_space<vmem>>, vector<1x128x2048xf32>
    %get3A_8 = vector.shape_cast %get3A_7 : vector<1x128x2048xf32> to vector<128x2048xf32>
    %get3A_9 = arith.constant 0 : index
    %get3A_10 = arith.constant 0 : index
    %get3A_11 = arith.constant 0 : index
    %get3A_12 = vector.load %arg4[%get3A_9, %get3A_10, %get3A_11] : memref<1x32x128xi32, #tpu.memory_space<vmem>>, vector<1x32x128xi32>
    %get3A_13 = vector.shape_cast %get3A_12 : vector<1x32x128xi32> to vector<32x128xi32>
    %get3A_14 = arith.constant 0 : index
    %get3A_15 = arith.constant 0 : index
    %get3A_16 = vector.load %arg5[%get3A_14, %get3A_15] : memref<128x128xf32, #tpu.memory_space<vmem>>, vector<128x128xf32>
    %get3A_17 = arith.constant 0 : index
    %get3A_18 = arith.constant 0 : index
    %get3A_19 = vector.load %arg6[%get3A_17, %get3A_18] : memref<128x128xf32, #tpu.memory_space<vmem>>, vector<128x128xf32>
    %slice3A = vector.extract_strided_slice %get3A_13 {offsets = [0, 0], sizes = [1, 128], strides = [1, 1]} : vector<32x128xi32> to vector<1x128xi32>
    %iota3A = tpu.iota {dimensions = array<i32: 0>} : vector<2048x128xi32>
    %eq3A = vector.broadcast %slice3A : vector<1x128xi32> to vector<2048x128xi32>
    %eq3A_20 = arith.cmpi eq, %iota3A, %eq3A : vector<2048x128xi32>
    %jit3A = arith.constant 1.000000e+00 : f32
    %jit3A_21 = arith.constant 0.000000e+00 : f32
    %broadcast_in_dim3A = vector.broadcast %jit3A : f32 to vector<2048x128xf32>
    %broadcast_in_dim3A_22 = vector.broadcast %jit3A_21 : f32 to vector<2048x128xf32>
    %select_n3A = arith.select %eq3A_20, %broadcast_in_dim3A, %broadcast_in_dim3A_22 : vector<2048x128xi1>, vector<2048x128xf32>
    %dot_general3A = arith.constant dense<0.000000e+00> : vector<128x128xf32>
    %dot_general3A_23 = tpu.matmul %get3A_8, %select_n3A, %dot_general3A {dimension_numbers = #tpu.dot_dimension_numbers<[1], [0], [0], [1], [0, 0, 1, 1], [], []>, precision = #tpu.contract_precision<fp32>, transpose_lhs_hint = false} : vector<128x2048xf32>, vector<2048x128xf32>, vector<128x128xf32> -> vector<128x128xf32>
    %slice3A_24 = vector.extract_strided_slice %get3A_13 {offsets = [1, 0], sizes = [1, 128], strides = [1, 1]} : vector<32x128xi32> to vector<1x128xi32>
    %iota3A_25 = tpu.iota {dimensions = array<i32: 0>} : vector<2048x128xi32>
    %eq3A_26 = vector.broadcast %slice3A_24 : vector<1x128xi32> to vector<2048x128xi32>
    %eq3A_27 = arith.cmpi eq, %iota3A_25, %eq3A_26 : vector<2048x128xi32>
    %jit3A_28 = arith.constant 1.000000e+00 : f32
    %jit3A_29 = arith.constant 0.000000e+00 : f32
    %broadcast_in_dim3A_30 = vector.broadcast %jit3A_28 : f32 to vector<2048x128xf32>
    %broadcast_in_dim3A_31 = vector.broadcast %jit3A_29 : f32 to vector<2048x128xf32>
    %select_n3A_32 = arith.select %eq3A_27, %broadcast_in_dim3A_30, %broadcast_in_dim3A_31 : vector<2048x128xi1>, vector<2048x128xf32>
    %dot_general3A_33 = arith.constant dense<0.000000e+00> : vector<128x128xf32>
    %dot_general3A_34 = tpu.matmul %get3A_8, %select_n3A_32, %dot_general3A_33 {dimension_numbers = #tpu.dot_dimension_numbers<[1], [0], [0], [1], [0, 0, 1, 1], [], []>, precision = #tpu.contract_precision<fp32>, transpose_lhs_hint = false} : vector<128x2048xf32>, vector<2048x128xf32>, vector<128x128xf32> -> vector<128x128xf32>
    %slice3A_35 = vector.extract_strided_slice %get3A_13 {offsets = [2, 0], sizes = [1, 128], strides = [1, 1]} : vector<32x128xi32> to vector<1x128xi32>
    %iota3A_36 = tpu.iota {dimensions = array<i32: 0>} : vector<2048x128xi32>
    %eq3A_37 = vector.broadcast %slice3A_35 : vector<1x128xi32> to vector<2048x128xi32>
    %eq3A_38 = arith.cmpi eq, %iota3A_36, %eq3A_37 : vector<2048x128xi32>
    %jit3A_39 = arith.constant 1.000000e+00 : f32
    %jit3A_40 = arith.constant 0.000000e+00 : f32
    %broadcast_in_dim3A_41 = vector.broadcast %jit3A_39 : f32 to vector<2048x128xf32>
    %broadcast_in_dim3A_42 = vector.broadcast %jit3A_40 : f32 to vector<2048x128xf32>
    %select_n3A_43 = arith.select %eq3A_38, %broadcast_in_dim3A_41, %broadcast_in_dim3A_42 : vector<2048x128xi1>, vector<2048x128xf32>
    %dot_general3A_44 = arith.constant dense<0.000000e+00> : vector<128x128xf32>
    %dot_general3A_45 = tpu.matmul %get3A_8, %select_n3A_43, %dot_general3A_44 {dimension_numbers = #tpu.dot_dimension_numbers<[1], [0], [0], [1], [0, 0, 1, 1], [], []>, precision = #tpu.contract_precision<fp32>, transpose_lhs_hint = false} : vector<128x2048xf32>, vector<2048x128xf32>, vector<128x128xf32> -> vector<128x128xf32>
    %slice3A_46 = vector.extract_strided_slice %get3A_13 {offsets = [3, 0], sizes = [1, 128], strides = [1, 1]} : vector<32x128xi32> to vector<1x128xi32>
    %iota3A_47 = tpu.iota {dimensions = array<i32: 0>} : vector<2048x128xi32>
    %eq3A_48 = vector.broadcast %slice3A_46 : vector<1x128xi32> to vector<2048x128xi32>
    %eq3A_49 = arith.cmpi eq, %iota3A_47, %eq3A_48 : vector<2048x128xi32>
    %jit3A_50 = arith.constant 1.000000e+00 : f32
    %jit3A_51 = arith.constant 0.000000e+00 : f32
    %broadcast_in_dim3A_52 = vector.broadcast %jit3A_50 : f32 to vector<2048x128xf32>
    %broadcast_in_dim3A_53 = vector.broadcast %jit3A_51 : f32 to vector<2048x128xf32>
    %select_n3A_54 = arith.select %eq3A_49, %broadcast_in_dim3A_52, %broadcast_in_dim3A_53 : vector<2048x128xi1>, vector<2048x128xf32>
    %dot_general3A_55 = arith.constant dense<0.000000e+00> : vector<128x128xf32>
    %dot_general3A_56 = tpu.matmul %get3A_8, %select_n3A_54, %dot_general3A_55 {dimension_numbers = #tpu.dot_dimension_numbers<[1], [0], [0], [1], [0, 0, 1, 1], [], []>, precision = #tpu.contract_precision<fp32>, transpose_lhs_hint = false} : vector<128x2048xf32>, vector<2048x128xf32>, vector<128x128xf32> -> vector<128x128xf32>
    %slice3A_57 = vector.extract_strided_slice %get3A_13 {offsets = [4, 0], sizes = [1, 128], strides = [1, 1]} : vector<32x128xi32> to vector<1x128xi32>
    %iota3A_58 = tpu.iota {dimensions = array<i32: 0>} : vector<2048x128xi32>
    %eq3A_59 = vector.broadcast %slice3A_57 : vector<1x128xi32> to vector<2048x128xi32>
    %eq3A_60 = arith.cmpi eq, %iota3A_58, %eq3A_59 : vector<2048x128xi32>
    %jit3A_61 = arith.constant 1.000000e+00 : f32
    %jit3A_62 = arith.constant 0.000000e+00 : f32
    %broadcast_in_dim3A_63 = vector.broadcast %jit3A_61 : f32 to vector<2048x128xf32>
    %broadcast_in_dim3A_64 = vector.broadcast %jit3A_62 : f32 to vector<2048x128xf32>
    %select_n3A_65 = arith.select %eq3A_60, %broadcast_in_dim3A_63, %broadcast_in_dim3A_64 : vector<2048x128xi1>, vector<2048x128xf32>
    %dot_general3A_66 = arith.constant dense<0.000000e+00> : vector<128x128xf32>
    %dot_general3A_67 = tpu.matmul %get3A_8, %select_n3A_65, %dot_general3A_66 {dimension_numbers = #tpu.dot_dimension_numbers<[1], [0], [0], [1], [0, 0, 1, 1], [], []>, precision = #tpu.contract_precision<fp32>, transpose_lhs_hint = false} : vector<128x2048xf32>, vector<2048x128xf32>, vector<128x128xf32> -> vector<128x128xf32>
    %slice3A_68 = vector.extract_strided_slice %get3A_13 {offsets = [5, 0], sizes = [1, 128], strides = [1, 1]} : vector<32x128xi32> to vector<1x128xi32>
    %iota3A_69 = tpu.iota {dimensions = array<i32: 0>} : vector<2048x128xi32>
    %eq3A_70 = vector.broadcast %slice3A_68 : vector<1x128xi32> to vector<2048x128xi32>
    %eq3A_71 = arith.cmpi eq, %iota3A_69, %eq3A_70 : vector<2048x128xi32>
    %jit3A_72 = arith.constant 1.000000e+00 : f32
    %jit3A_73 = arith.constant 0.000000e+00 : f32
    %broadcast_in_dim3A_74 = vector.broadcast %jit3A_72 : f32 to vector<2048x128xf32>
    %broadcast_in_dim3A_75 = vector.broadcast %jit3A_73 : f32 to vector<2048x128xf32>
    %select_n3A_76 = arith.select %eq3A_71, %broadcast_in_dim3A_74, %broadcast_in_dim3A_75 : vector<2048x128xi1>, vector<2048x128xf32>
    %dot_general3A_77 = arith.constant dense<0.000000e+00> : vector<128x128xf32>
    %dot_general3A_78 = tpu.matmul %get3A_8, %select_n3A_76, %dot_general3A_77 {dimension_numbers = #tpu.dot_dimension_numbers<[1], [0], [0], [1], [0, 0, 1, 1], [], []>, precision = #tpu.contract_precision<fp32>, transpose_lhs_hint = false} : vector<128x2048xf32>, vector<2048x128xf32>, vector<128x128xf32> -> vector<128x128xf32>
    %slice3A_79 = vector.extract_strided_slice %get3A_13 {offsets = [6, 0], sizes = [1, 128], strides = [1, 1]} : vector<32x128xi32> to vector<1x128xi32>
    %iota3A_80 = tpu.iota {dimensions = array<i32: 0>} : vector<2048x128xi32>
    %eq3A_81 = vector.broadcast %slice3A_79 : vector<1x128xi32> to vector<2048x128xi32>
    %eq3A_82 = arith.cmpi eq, %iota3A_80, %eq3A_81 : vector<2048x128xi32>
    %jit3A_83 = arith.constant 1.000000e+00 : f32
    %jit3A_84 = arith.constant 0.000000e+00 : f32
    %broadcast_in_dim3A_85 = vector.broadcast %jit3A_83 : f32 to vector<2048x128xf32>
    %broadcast_in_dim3A_86 = vector.broadcast %jit3A_84 : f32 to vector<2048x128xf32>
    %select_n3A_87 = arith.select %eq3A_82, %broadcast_in_dim3A_85, %broadcast_in_dim3A_86 : vector<2048x128xi1>, vector<2048x128xf32>
    %dot_general3A_88 = arith.constant dense<0.000000e+00> : vector<128x128xf32>
    %dot_general3A_89 = tpu.matmul %get3A_8, %select_n3A_87, %dot_general3A_88 {dimension_numbers = #tpu.dot_dimension_numbers<[1], [0], [0], [1], [0, 0, 1, 1], [], []>, precision = #tpu.contract_precision<fp32>, transpose_lhs_hint = false} : vector<128x2048xf32>, vector<2048x128xf32>, vector<128x128xf32> -> vector<128x128xf32>
    %slice3A_90 = vector.extract_strided_slice %get3A_13 {offsets = [7, 0], sizes = [1, 128], strides = [1, 1]} : vector<32x128xi32> to vector<1x128xi32>
    %iota3A_91 = tpu.iota {dimensions = array<i32: 0>} : vector<2048x128xi32>
    %eq3A_92 = vector.broadcast %slice3A_90 : vector<1x128xi32> to vector<2048x128xi32>
    %eq3A_93 = arith.cmpi eq, %iota3A_91, %eq3A_92 : vector<2048x128xi32>
    %jit3A_94 = arith.constant 1.000000e+00 : f32
    %jit3A_95 = arith.constant 0.000000e+00 : f32
    %broadcast_in_dim3A_96 = vector.broadcast %jit3A_94 : f32 to vector<2048x128xf32>
    %broadcast_in_dim3A_97 = vector.broadcast %jit3A_95 : f32 to vector<2048x128xf32>
    %select_n3A_98 = arith.select %eq3A_93, %broadcast_in_dim3A_96, %broadcast_in_dim3A_97 : vector<2048x128xi1>, vector<2048x128xf32>
    %dot_general3A_99 = arith.constant dense<0.000000e+00> : vector<128x128xf32>
    %dot_general3A_100 = tpu.matmul %get3A_8, %select_n3A_98, %dot_general3A_99 {dimension_numbers = #tpu.dot_dimension_numbers<[1], [0], [0], [1], [0, 0, 1, 1], [], []>, precision = #tpu.contract_precision<fp32>, transpose_lhs_hint = false} : vector<128x2048xf32>, vector<2048x128xf32>, vector<128x128xf32> -> vector<128x128xf32>
    %slice3A_101 = vector.extract_strided_slice %get3A_13 {offsets = [8, 0], sizes = [1, 128], strides = [1, 1]} : vector<32x128xi32> to vector<1x128xi32>
    %iota3A_102 = tpu.iota {dimensions = array<i32: 0>} : vector<2048x128xi32>
    %eq3A_103 = vector.broadcast %slice3A_101 : vector<1x128xi32> to vector<2048x128xi32>
    %eq3A_104 = arith.cmpi eq, %iota3A_102, %eq3A_103 : vector<2048x128xi32>
    %jit3A_105 = arith.constant 1.000000e+00 : f32
    %jit3A_106 = arith.constant 0.000000e+00 : f32
    %broadcast_in_dim3A_107 = vector.broadcast %jit3A_105 : f32 to vector<2048x128xf32>
    %broadcast_in_dim3A_108 = vector.broadcast %jit3A_106 : f32 to vector<2048x128xf32>
    %select_n3A_109 = arith.select %eq3A_104, %broadcast_in_dim3A_107, %broadcast_in_dim3A_108 : vector<2048x128xi1>, vector<2048x128xf32>
    %dot_general3A_110 = arith.constant dense<0.000000e+00> : vector<128x128xf32>
    %dot_general3A_111 = tpu.matmul %get3A_8, %select_n3A_109, %dot_general3A_110 {dimension_numbers = #tpu.dot_dimension_numbers<[1], [0], [0], [1], [0, 0, 1, 1], [], []>, precision = #tpu.contract_precision<fp32>, transpose_lhs_hint = false} : vector<128x2048xf32>, vector<2048x128xf32>, vector<128x128xf32> -> vector<128x128xf32>
    %slice3A_112 = vector.extract_strided_slice %get3A_13 {offsets = [9, 0], sizes = [1, 128], strides = [1, 1]} : vector<32x128xi32> to vector<1x128xi32>
    %iota3A_113 = tpu.iota {dimensions = array<i32: 0>} : vector<2048x128xi32>
    %eq3A_114 = vector.broadcast %slice3A_112 : vector<1x128xi32> to vector<2048x128xi32>
    %eq3A_115 = arith.cmpi eq, %iota3A_113, %eq3A_114 : vector<2048x128xi32>
    %jit3A_116 = arith.constant 1.000000e+00 : f32
    %jit3A_117 = arith.constant 0.000000e+00 : f32
    %broadcast_in_dim3A_118 = vector.broadcast %jit3A_116 : f32 to vector<2048x128xf32>
    %broadcast_in_dim3A_119 = vector.broadcast %jit3A_117 : f32 to vector<2048x128xf32>
    %select_n3A_120 = arith.select %eq3A_115, %broadcast_in_dim3A_118, %broadcast_in_dim3A_119 : vector<2048x128xi1>, vector<2048x128xf32>
    %dot_general3A_121 = arith.constant dense<0.000000e+00> : vector<128x128xf32>
    %dot_general3A_122 = tpu.matmul %get3A_8, %select_n3A_120, %dot_general3A_121 {dimension_numbers = #tpu.dot_dimension_numbers<[1], [0], [0], [1], [0, 0, 1, 1], [], []>, precision = #tpu.contract_precision<fp32>, transpose_lhs_hint = false} : vector<128x2048xf32>, vector<2048x128xf32>, vector<128x128xf32> -> vector<128x128xf32>
    %slice3A_123 = vector.extract_strided_slice %get3A_13 {offsets = [10, 0], sizes = [1, 128], strides = [1, 1]} : vector<32x128xi32> to vector<1x128xi32>
    %iota3A_124 = tpu.iota {dimensions = array<i32: 0>} : vector<2048x128xi32>
    %eq3A_125 = vector.broadcast %slice3A_123 : vector<1x128xi32> to vector<2048x128xi32>
    %eq3A_126 = arith.cmpi eq, %iota3A_124, %eq3A_125 : vector<2048x128xi32>
    %jit3A_127 = arith.constant 1.000000e+00 : f32
    %jit3A_128 = arith.constant 0.000000e+00 : f32
    %broadcast_in_dim3A_129 = vector.broadcast %jit3A_127 : f32 to vector<2048x128xf32>
    %broadcast_in_dim3A_130 = vector.broadcast %jit3A_128 : f32 to vector<2048x128xf32>
    %select_n3A_131 = arith.select %eq3A_126, %broadcast_in_dim3A_129, %broadcast_in_dim3A_130 : vector<2048x128xi1>, vector<2048x128xf32>
    %dot_general3A_132 = arith.constant dense<0.000000e+00> : vector<128x128xf32>
    %dot_general3A_133 = tpu.matmul %get3A_8, %select_n3A_131, %dot_general3A_132 {dimension_numbers = #tpu.dot_dimension_numbers<[1], [0], [0], [1], [0, 0, 1, 1], [], []>, precision = #tpu.contract_precision<fp32>, transpose_lhs_hint = false} : vector<128x2048xf32>, vector<2048x128xf32>, vector<128x128xf32> -> vector<128x128xf32>
    %slice3A_134 = vector.extract_strided_slice %get3A_13 {offsets = [11, 0], sizes = [1, 128], strides = [1, 1]} : vector<32x128xi32> to vector<1x128xi32>
    %iota3A_135 = tpu.iota {dimensions = array<i32: 0>} : vector<2048x128xi32>
    %eq3A_136 = vector.broadcast %slice3A_134 : vector<1x128xi32> to vector<2048x128xi32>
    %eq3A_137 = arith.cmpi eq, %iota3A_135, %eq3A_136 : vector<2048x128xi32>
    %jit3A_138 = arith.constant 1.000000e+00 : f32
    %jit3A_139 = arith.constant 0.000000e+00 : f32
    %broadcast_in_dim3A_140 = vector.broadcast %jit3A_138 : f32 to vector<2048x128xf32>
    %broadcast_in_dim3A_141 = vector.broadcast %jit3A_139 : f32 to vector<2048x128xf32>
    %select_n3A_142 = arith.select %eq3A_137, %broadcast_in_dim3A_140, %broadcast_in_dim3A_141 : vector<2048x128xi1>, vector<2048x128xf32>
    %dot_general3A_143 = arith.constant dense<0.000000e+00> : vector<128x128xf32>
    %dot_general3A_144 = tpu.matmul %get3A_8, %select_n3A_142, %dot_general3A_143 {dimension_numbers = #tpu.dot_dimension_numbers<[1], [0], [0], [1], [0, 0, 1, 1], [], []>, precision = #tpu.contract_precision<fp32>, transpose_lhs_hint = false} : vector<128x2048xf32>, vector<2048x128xf32>, vector<128x128xf32> -> vector<128x128xf32>
    %slice3A_145 = vector.extract_strided_slice %get3A_13 {offsets = [12, 0], sizes = [1, 128], strides = [1, 1]} : vector<32x128xi32> to vector<1x128xi32>
    %iota3A_146 = tpu.iota {dimensions = array<i32: 0>} : vector<2048x128xi32>
    %eq3A_147 = vector.broadcast %slice3A_145 : vector<1x128xi32> to vector<2048x128xi32>
    %eq3A_148 = arith.cmpi eq, %iota3A_146, %eq3A_147 : vector<2048x128xi32>
    %jit3A_149 = arith.constant 1.000000e+00 : f32
    %jit3A_150 = arith.constant 0.000000e+00 : f32
    %broadcast_in_dim3A_151 = vector.broadcast %jit3A_149 : f32 to vector<2048x128xf32>
    %broadcast_in_dim3A_152 = vector.broadcast %jit3A_150 : f32 to vector<2048x128xf32>
    %select_n3A_153 = arith.select %eq3A_148, %broadcast_in_dim3A_151, %broadcast_in_dim3A_152 : vector<2048x128xi1>, vector<2048x128xf32>
    %dot_general3A_154 = arith.constant dense<0.000000e+00> : vector<128x128xf32>
    %dot_general3A_155 = tpu.matmul %get3A_8, %select_n3A_153, %dot_general3A_154 {dimension_numbers = #tpu.dot_dimension_numbers<[1], [0], [0], [1], [0, 0, 1, 1], [], []>, precision = #tpu.contract_precision<fp32>, transpose_lhs_hint = false} : vector<128x2048xf32>, vector<2048x128xf32>, vector<128x128xf32> -> vector<128x128xf32>
    %slice3A_156 = vector.extract_strided_slice %get3A_13 {offsets = [13, 0], sizes = [1, 128], strides = [1, 1]} : vector<32x128xi32> to vector<1x128xi32>
    %iota3A_157 = tpu.iota {dimensions = array<i32: 0>} : vector<2048x128xi32>
    %eq3A_158 = vector.broadcast %slice3A_156 : vector<1x128xi32> to vector<2048x128xi32>
    %eq3A_159 = arith.cmpi eq, %iota3A_157, %eq3A_158 : vector<2048x128xi32>
    %jit3A_160 = arith.constant 1.000000e+00 : f32
    %jit3A_161 = arith.constant 0.000000e+00 : f32
    %broadcast_in_dim3A_162 = vector.broadcast %jit3A_160 : f32 to vector<2048x128xf32>
    %broadcast_in_dim3A_163 = vector.broadcast %jit3A_161 : f32 to vector<2048x128xf32>
    %select_n3A_164 = arith.select %eq3A_159, %broadcast_in_dim3A_162, %broadcast_in_dim3A_163 : vector<2048x128xi1>, vector<2048x128xf32>
    %dot_general3A_165 = arith.constant dense<0.000000e+00> : vector<128x128xf32>
    %dot_general3A_166 = tpu.matmul %get3A_8, %select_n3A_164, %dot_general3A_165 {dimension_numbers = #tpu.dot_dimension_numbers<[1], [0], [0], [1], [0, 0, 1, 1], [], []>, precision = #tpu.contract_precision<fp32>, transpose_lhs_hint = false} : vector<128x2048xf32>, vector<2048x128xf32>, vector<128x128xf32> -> vector<128x128xf32>
    %slice3A_167 = vector.extract_strided_slice %get3A_13 {offsets = [14, 0], sizes = [1, 128], strides = [1, 1]} : vector<32x128xi32> to vector<1x128xi32>
    %iota3A_168 = tpu.iota {dimensions = array<i32: 0>} : vector<2048x128xi32>
    %eq3A_169 = vector.broadcast %slice3A_167 : vector<1x128xi32> to vector<2048x128xi32>
    %eq3A_170 = arith.cmpi eq, %iota3A_168, %eq3A_169 : vector<2048x128xi32>
    %jit3A_171 = arith.constant 1.000000e+00 : f32
    %jit3A_172 = arith.constant 0.000000e+00 : f32
    %broadcast_in_dim3A_173 = vector.broadcast %jit3A_171 : f32 to vector<2048x128xf32>
    %broadcast_in_dim3A_174 = vector.broadcast %jit3A_172 : f32 to vector<2048x128xf32>
    %select_n3A_175 = arith.select %eq3A_170, %broadcast_in_dim3A_173, %broadcast_in_dim3A_174 : vector<2048x128xi1>, vector<2048x128xf32>
    %dot_general3A_176 = arith.constant dense<0.000000e+00> : vector<128x128xf32>
    %dot_general3A_177 = tpu.matmul %get3A_8, %select_n3A_175, %dot_general3A_176 {dimension_numbers = #tpu.dot_dimension_numbers<[1], [0], [0], [1], [0, 0, 1, 1], [], []>, precision = #tpu.contract_precision<fp32>, transpose_lhs_hint = false} : vector<128x2048xf32>, vector<2048x128xf32>, vector<128x128xf32> -> vector<128x128xf32>
    %slice3A_178 = vector.extract_strided_slice %get3A_13 {offsets = [15, 0], sizes = [1, 128], strides = [1, 1]} : vector<32x128xi32> to vector<1x128xi32>
    %iota3A_179 = tpu.iota {dimensions = array<i32: 0>} : vector<2048x128xi32>
    %eq3A_180 = vector.broadcast %slice3A_178 : vector<1x128xi32> to vector<2048x128xi32>
    %eq3A_181 = arith.cmpi eq, %iota3A_179, %eq3A_180 : vector<2048x128xi32>
    %jit3A_182 = arith.constant 1.000000e+00 : f32
    %jit3A_183 = arith.constant 0.000000e+00 : f32
    %broadcast_in_dim3A_184 = vector.broadcast %jit3A_182 : f32 to vector<2048x128xf32>
    %broadcast_in_dim3A_185 = vector.broadcast %jit3A_183 : f32 to vector<2048x128xf32>
    %select_n3A_186 = arith.select %eq3A_181, %broadcast_in_dim3A_184, %broadcast_in_dim3A_185 : vector<2048x128xi1>, vector<2048x128xf32>
    %dot_general3A_187 = arith.constant dense<0.000000e+00> : vector<128x128xf32>
    %dot_general3A_188 = tpu.matmul %get3A_8, %select_n3A_186, %dot_general3A_187 {dimension_numbers = #tpu.dot_dimension_numbers<[1], [0], [0], [1], [0, 0, 1, 1], [], []>, precision = #tpu.contract_precision<fp32>, transpose_lhs_hint = false} : vector<128x2048xf32>, vector<2048x128xf32>, vector<128x128xf32> -> vector<128x128xf32>
    %slice3A_189 = vector.extract_strided_slice %get3A_13 {offsets = [16, 0], sizes = [1, 128], strides = [1, 1]} : vector<32x128xi32> to vector<1x128xi32>
    %iota3A_190 = tpu.iota {dimensions = array<i32: 0>} : vector<2048x128xi32>
    %eq3A_191 = vector.broadcast %slice3A_189 : vector<1x128xi32> to vector<2048x128xi32>
    %eq3A_192 = arith.cmpi eq, %iota3A_190, %eq3A_191 : vector<2048x128xi32>
    %jit3A_193 = arith.constant 1.000000e+00 : f32
    %jit3A_194 = arith.constant 0.000000e+00 : f32
    %broadcast_in_dim3A_195 = vector.broadcast %jit3A_193 : f32 to vector<2048x128xf32>
    %broadcast_in_dim3A_196 = vector.broadcast %jit3A_194 : f32 to vector<2048x128xf32>
    %select_n3A_197 = arith.select %eq3A_192, %broadcast_in_dim3A_195, %broadcast_in_dim3A_196 : vector<2048x128xi1>, vector<2048x128xf32>
    %dot_general3A_198 = arith.constant dense<0.000000e+00> : vector<128x128xf32>
    %dot_general3A_199 = tpu.matmul %get3A_8, %select_n3A_197, %dot_general3A_198 {dimension_numbers = #tpu.dot_dimension_numbers<[1], [0], [0], [1], [0, 0, 1, 1], [], []>, precision = #tpu.contract_precision<fp32>, transpose_lhs_hint = false} : vector<128x2048xf32>, vector<2048x128xf32>, vector<128x128xf32> -> vector<128x128xf32>
    %slice3A_200 = vector.extract_strided_slice %get3A_13 {offsets = [17, 0], sizes = [1, 128], strides = [1, 1]} : vector<32x128xi32> to vector<1x128xi32>
    %iota3A_201 = tpu.iota {dimensions = array<i32: 0>} : vector<2048x128xi32>
    %eq3A_202 = vector.broadcast %slice3A_200 : vector<1x128xi32> to vector<2048x128xi32>
    %eq3A_203 = arith.cmpi eq, %iota3A_201, %eq3A_202 : vector<2048x128xi32>
    %jit3A_204 = arith.constant 1.000000e+00 : f32
    %jit3A_205 = arith.constant 0.000000e+00 : f32
    %broadcast_in_dim3A_206 = vector.broadcast %jit3A_204 : f32 to vector<2048x128xf32>
    %broadcast_in_dim3A_207 = vector.broadcast %jit3A_205 : f32 to vector<2048x128xf32>
    %select_n3A_208 = arith.select %eq3A_203, %broadcast_in_dim3A_206, %broadcast_in_dim3A_207 : vector<2048x128xi1>, vector<2048x128xf32>
    %dot_general3A_209 = arith.constant dense<0.000000e+00> : vector<128x128xf32>
    %dot_general3A_210 = tpu.matmul %get3A_8, %select_n3A_208, %dot_general3A_209 {dimension_numbers = #tpu.dot_dimension_numbers<[1], [0], [0], [1], [0, 0, 1, 1], [], []>, precision = #tpu.contract_precision<fp32>, transpose_lhs_hint = false} : vector<128x2048xf32>, vector<2048x128xf32>, vector<128x128xf32> -> vector<128x128xf32>
    %slice3A_211 = vector.extract_strided_slice %get3A_13 {offsets = [18, 0], sizes = [1, 128], strides = [1, 1]} : vector<32x128xi32> to vector<1x128xi32>
    %iota3A_212 = tpu.iota {dimensions = array<i32: 0>} : vector<2048x128xi32>
    %eq3A_213 = vector.broadcast %slice3A_211 : vector<1x128xi32> to vector<2048x128xi32>
    %eq3A_214 = arith.cmpi eq, %iota3A_212, %eq3A_213 : vector<2048x128xi32>
    %jit3A_215 = arith.constant 1.000000e+00 : f32
    %jit3A_216 = arith.constant 0.000000e+00 : f32
    %broadcast_in_dim3A_217 = vector.broadcast %jit3A_215 : f32 to vector<2048x128xf32>
    %broadcast_in_dim3A_218 = vector.broadcast %jit3A_216 : f32 to vector<2048x128xf32>
    %select_n3A_219 = arith.select %eq3A_214, %broadcast_in_dim3A_217, %broadcast_in_dim3A_218 : vector<2048x128xi1>, vector<2048x128xf32>
    %dot_general3A_220 = arith.constant dense<0.000000e+00> : vector<128x128xf32>
    %dot_general3A_221 = tpu.matmul %get3A_8, %select_n3A_219, %dot_general3A_220 {dimension_numbers = #tpu.dot_dimension_numbers<[1], [0], [0], [1], [0, 0, 1, 1], [], []>, precision = #tpu.contract_precision<fp32>, transpose_lhs_hint = false} : vector<128x2048xf32>, vector<2048x128xf32>, vector<128x128xf32> -> vector<128x128xf32>
    %slice3A_222 = vector.extract_strided_slice %get3A_13 {offsets = [19, 0], sizes = [1, 128], strides = [1, 1]} : vector<32x128xi32> to vector<1x128xi32>
    %iota3A_223 = tpu.iota {dimensions = array<i32: 0>} : vector<2048x128xi32>
    %eq3A_224 = vector.broadcast %slice3A_222 : vector<1x128xi32> to vector<2048x128xi32>
    %eq3A_225 = arith.cmpi eq, %iota3A_223, %eq3A_224 : vector<2048x128xi32>
    %jit3A_226 = arith.constant 1.000000e+00 : f32
    %jit3A_227 = arith.constant 0.000000e+00 : f32
    %broadcast_in_dim3A_228 = vector.broadcast %jit3A_226 : f32 to vector<2048x128xf32>
    %broadcast_in_dim3A_229 = vector.broadcast %jit3A_227 : f32 to vector<2048x128xf32>
    %select_n3A_230 = arith.select %eq3A_225, %broadcast_in_dim3A_228, %broadcast_in_dim3A_229 : vector<2048x128xi1>, vector<2048x128xf32>
    %dot_general3A_231 = arith.constant dense<0.000000e+00> : vector<128x128xf32>
    %dot_general3A_232 = tpu.matmul %get3A_8, %select_n3A_230, %dot_general3A_231 {dimension_numbers = #tpu.dot_dimension_numbers<[1], [0], [0], [1], [0, 0, 1, 1], [], []>, precision = #tpu.contract_precision<fp32>, transpose_lhs_hint = false} : vector<128x2048xf32>, vector<2048x128xf32>, vector<128x128xf32> -> vector<128x128xf32>
    %slice3A_233 = vector.extract_strided_slice %get3A_13 {offsets = [20, 0], sizes = [1, 128], strides = [1, 1]} : vector<32x128xi32> to vector<1x128xi32>
    %iota3A_234 = tpu.iota {dimensions = array<i32: 0>} : vector<2048x128xi32>
    %eq3A_235 = vector.broadcast %slice3A_233 : vector<1x128xi32> to vector<2048x128xi32>
    %eq3A_236 = arith.cmpi eq, %iota3A_234, %eq3A_235 : vector<2048x128xi32>
    %jit3A_237 = arith.constant 1.000000e+00 : f32
    %jit3A_238 = arith.constant 0.000000e+00 : f32
    %broadcast_in_dim3A_239 = vector.broadcast %jit3A_237 : f32 to vector<2048x128xf32>
    %broadcast_in_dim3A_240 = vector.broadcast %jit3A_238 : f32 to vector<2048x128xf32>
    %select_n3A_241 = arith.select %eq3A_236, %broadcast_in_dim3A_239, %broadcast_in_dim3A_240 : vector<2048x128xi1>, vector<2048x128xf32>
    %dot_general3A_242 = arith.constant dense<0.000000e+00> : vector<128x128xf32>
    %dot_general3A_243 = tpu.matmul %get3A_8, %select_n3A_241, %dot_general3A_242 {dimension_numbers = #tpu.dot_dimension_numbers<[1], [0], [0], [1], [0, 0, 1, 1], [], []>, precision = #tpu.contract_precision<fp32>, transpose_lhs_hint = false} : vector<128x2048xf32>, vector<2048x128xf32>, vector<128x128xf32> -> vector<128x128xf32>
    %slice3A_244 = vector.extract_strided_slice %get3A_13 {offsets = [21, 0], sizes = [1, 128], strides = [1, 1]} : vector<32x128xi32> to vector<1x128xi32>
    %iota3A_245 = tpu.iota {dimensions = array<i32: 0>} : vector<2048x128xi32>
    %eq3A_246 = vector.broadcast %slice3A_244 : vector<1x128xi32> to vector<2048x128xi32>
    %eq3A_247 = arith.cmpi eq, %iota3A_245, %eq3A_246 : vector<2048x128xi32>
    %jit3A_248 = arith.constant 1.000000e+00 : f32
    %jit3A_249 = arith.constant 0.000000e+00 : f32
    %broadcast_in_dim3A_250 = vector.broadcast %jit3A_248 : f32 to vector<2048x128xf32>
    %broadcast_in_dim3A_251 = vector.broadcast %jit3A_249 : f32 to vector<2048x128xf32>
    %select_n3A_252 = arith.select %eq3A_247, %broadcast_in_dim3A_250, %broadcast_in_dim3A_251 : vector<2048x128xi1>, vector<2048x128xf32>
    %dot_general3A_253 = arith.constant dense<0.000000e+00> : vector<128x128xf32>
    %dot_general3A_254 = tpu.matmul %get3A_8, %select_n3A_252, %dot_general3A_253 {dimension_numbers = #tpu.dot_dimension_numbers<[1], [0], [0], [1], [0, 0, 1, 1], [], []>, precision = #tpu.contract_precision<fp32>, transpose_lhs_hint = false} : vector<128x2048xf32>, vector<2048x128xf32>, vector<128x128xf32> -> vector<128x128xf32>
    %slice3A_255 = vector.extract_strided_slice %get3A_13 {offsets = [22, 0], sizes = [1, 128], strides = [1, 1]} : vector<32x128xi32> to vector<1x128xi32>
    %iota3A_256 = tpu.iota {dimensions = array<i32: 0>} : vector<2048x128xi32>
    %eq3A_257 = vector.broadcast %slice3A_255 : vector<1x128xi32> to vector<2048x128xi32>
    %eq3A_258 = arith.cmpi eq, %iota3A_256, %eq3A_257 : vector<2048x128xi32>
    %jit3A_259 = arith.constant 1.000000e+00 : f32
    %jit3A_260 = arith.constant 0.000000e+00 : f32
    %broadcast_in_dim3A_261 = vector.broadcast %jit3A_259 : f32 to vector<2048x128xf32>
    %broadcast_in_dim3A_262 = vector.broadcast %jit3A_260 : f32 to vector<2048x128xf32>
    %select_n3A_263 = arith.select %eq3A_258, %broadcast_in_dim3A_261, %broadcast_in_dim3A_262 : vector<2048x128xi1>, vector<2048x128xf32>
    %dot_general3A_264 = arith.constant dense<0.000000e+00> : vector<128x128xf32>
    %dot_general3A_265 = tpu.matmul %get3A_8, %select_n3A_263, %dot_general3A_264 {dimension_numbers = #tpu.dot_dimension_numbers<[1], [0], [0], [1], [0, 0, 1, 1], [], []>, precision = #tpu.contract_precision<fp32>, transpose_lhs_hint = false} : vector<128x2048xf32>, vector<2048x128xf32>, vector<128x128xf32> -> vector<128x128xf32>
    %slice3A_266 = vector.extract_strided_slice %get3A_13 {offsets = [23, 0], sizes = [1, 128], strides = [1, 1]} : vector<32x128xi32> to vector<1x128xi32>
    %iota3A_267 = tpu.iota {dimensions = array<i32: 0>} : vector<2048x128xi32>
    %eq3A_268 = vector.broadcast %slice3A_266 : vector<1x128xi32> to vector<2048x128xi32>
    %eq3A_269 = arith.cmpi eq, %iota3A_267, %eq3A_268 : vector<2048x128xi32>
    %jit3A_270 = arith.constant 1.000000e+00 : f32
    %jit3A_271 = arith.constant 0.000000e+00 : f32
    %broadcast_in_dim3A_272 = vector.broadcast %jit3A_270 : f32 to vector<2048x128xf32>
    %broadcast_in_dim3A_273 = vector.broadcast %jit3A_271 : f32 to vector<2048x128xf32>
    %select_n3A_274 = arith.select %eq3A_269, %broadcast_in_dim3A_272, %broadcast_in_dim3A_273 : vector<2048x128xi1>, vector<2048x128xf32>
    %dot_general3A_275 = arith.constant dense<0.000000e+00> : vector<128x128xf32>
    %dot_general3A_276 = tpu.matmul %get3A_8, %select_n3A_274, %dot_general3A_275 {dimension_numbers = #tpu.dot_dimension_numbers<[1], [0], [0], [1], [0, 0, 1, 1], [], []>, precision = #tpu.contract_precision<fp32>, transpose_lhs_hint = false} : vector<128x2048xf32>, vector<2048x128xf32>, vector<128x128xf32> -> vector<128x128xf32>
    %slice3A_277 = vector.extract_strided_slice %get3A_13 {offsets = [24, 0], sizes = [1, 128], strides = [1, 1]} : vector<32x128xi32> to vector<1x128xi32>
    %iota3A_278 = tpu.iota {dimensions = array<i32: 0>} : vector<2048x128xi32>
    %eq3A_279 = vector.broadcast %slice3A_277 : vector<1x128xi32> to vector<2048x128xi32>
    %eq3A_280 = arith.cmpi eq, %iota3A_278, %eq3A_279 : vector<2048x128xi32>
    %jit3A_281 = arith.constant 1.000000e+00 : f32
    %jit3A_282 = arith.constant 0.000000e+00 : f32
    %broadcast_in_dim3A_283 = vector.broadcast %jit3A_281 : f32 to vector<2048x128xf32>
    %broadcast_in_dim3A_284 = vector.broadcast %jit3A_282 : f32 to vector<2048x128xf32>
    %select_n3A_285 = arith.select %eq3A_280, %broadcast_in_dim3A_283, %broadcast_in_dim3A_284 : vector<2048x128xi1>, vector<2048x128xf32>
    %dot_general3A_286 = arith.constant dense<0.000000e+00> : vector<128x128xf32>
    %dot_general3A_287 = tpu.matmul %get3A_8, %select_n3A_285, %dot_general3A_286 {dimension_numbers = #tpu.dot_dimension_numbers<[1], [0], [0], [1], [0, 0, 1, 1], [], []>, precision = #tpu.contract_precision<fp32>, transpose_lhs_hint = false} : vector<128x2048xf32>, vector<2048x128xf32>, vector<128x128xf32> -> vector<128x128xf32>
    %slice3A_288 = vector.extract_strided_slice %get3A_13 {offsets = [25, 0], sizes = [1, 128], strides = [1, 1]} : vector<32x128xi32> to vector<1x128xi32>
    %iota3A_289 = tpu.iota {dimensions = array<i32: 0>} : vector<2048x128xi32>
    %eq3A_290 = vector.broadcast %slice3A_288 : vector<1x128xi32> to vector<2048x128xi32>
    %eq3A_291 = arith.cmpi eq, %iota3A_289, %eq3A_290 : vector<2048x128xi32>
    %jit3A_292 = arith.constant 1.000000e+00 : f32
    %jit3A_293 = arith.constant 0.000000e+00 : f32
    %broadcast_in_dim3A_294 = vector.broadcast %jit3A_292 : f32 to vector<2048x128xf32>
    %broadcast_in_dim3A_295 = vector.broadcast %jit3A_293 : f32 to vector<2048x128xf32>
    %select_n3A_296 = arith.select %eq3A_291, %broadcast_in_dim3A_294, %broadcast_in_dim3A_295 : vector<2048x128xi1>, vector<2048x128xf32>
    %dot_general3A_297 = arith.constant dense<0.000000e+00> : vector<128x128xf32>
    %dot_general3A_298 = tpu.matmul %get3A_8, %select_n3A_296, %dot_general3A_297 {dimension_numbers = #tpu.dot_dimension_numbers<[1], [0], [0], [1], [0, 0, 1, 1], [], []>, precision = #tpu.contract_precision<fp32>, transpose_lhs_hint = false} : vector<128x2048xf32>, vector<2048x128xf32>, vector<128x128xf32> -> vector<128x128xf32>
    %slice3A_299 = vector.extract_strided_slice %get3A_13 {offsets = [26, 0], sizes = [1, 128], strides = [1, 1]} : vector<32x128xi32> to vector<1x128xi32>
    %iota3A_300 = tpu.iota {dimensions = array<i32: 0>} : vector<2048x128xi32>
    %eq3A_301 = vector.broadcast %slice3A_299 : vector<1x128xi32> to vector<2048x128xi32>
    %eq3A_302 = arith.cmpi eq, %iota3A_300, %eq3A_301 : vector<2048x128xi32>
    %jit3A_303 = arith.constant 1.000000e+00 : f32
    %jit3A_304 = arith.constant 0.000000e+00 : f32
    %broadcast_in_dim3A_305 = vector.broadcast %jit3A_303 : f32 to vector<2048x128xf32>
    %broadcast_in_dim3A_306 = vector.broadcast %jit3A_304 : f32 to vector<2048x128xf32>
    %select_n3A_307 = arith.select %eq3A_302, %broadcast_in_dim3A_305, %broadcast_in_dim3A_306 : vector<2048x128xi1>, vector<2048x128xf32>
    %dot_general3A_308 = arith.constant dense<0.000000e+00> : vector<128x128xf32>
    %dot_general3A_309 = tpu.matmul %get3A_8, %select_n3A_307, %dot_general3A_308 {dimension_numbers = #tpu.dot_dimension_numbers<[1], [0], [0], [1], [0, 0, 1, 1], [], []>, precision = #tpu.contract_precision<fp32>, transpose_lhs_hint = false} : vector<128x2048xf32>, vector<2048x128xf32>, vector<128x128xf32> -> vector<128x128xf32>
    %slice3A_310 = vector.extract_strided_slice %get3A_13 {offsets = [27, 0], sizes = [1, 128], strides = [1, 1]} : vector<32x128xi32> to vector<1x128xi32>
    %iota3A_311 = tpu.iota {dimensions = array<i32: 0>} : vector<2048x128xi32>
    %eq3A_312 = vector.broadcast %slice3A_310 : vector<1x128xi32> to vector<2048x128xi32>
    %eq3A_313 = arith.cmpi eq, %iota3A_311, %eq3A_312 : vector<2048x128xi32>
    %jit3A_314 = arith.constant 1.000000e+00 : f32
    %jit3A_315 = arith.constant 0.000000e+00 : f32
    %broadcast_in_dim3A_316 = vector.broadcast %jit3A_314 : f32 to vector<2048x128xf32>
    %broadcast_in_dim3A_317 = vector.broadcast %jit3A_315 : f32 to vector<2048x128xf32>
    %select_n3A_318 = arith.select %eq3A_313, %broadcast_in_dim3A_316, %broadcast_in_dim3A_317 : vector<2048x128xi1>, vector<2048x128xf32>
    %dot_general3A_319 = arith.constant dense<0.000000e+00> : vector<128x128xf32>
    %dot_general3A_320 = tpu.matmul %get3A_8, %select_n3A_318, %dot_general3A_319 {dimension_numbers = #tpu.dot_dimension_numbers<[1], [0], [0], [1], [0, 0, 1, 1], [], []>, precision = #tpu.contract_precision<fp32>, transpose_lhs_hint = false} : vector<128x2048xf32>, vector<2048x128xf32>, vector<128x128xf32> -> vector<128x128xf32>
    %slice3A_321 = vector.extract_strided_slice %get3A_13 {offsets = [28, 0], sizes = [1, 128], strides = [1, 1]} : vector<32x128xi32> to vector<1x128xi32>
    %iota3A_322 = tpu.iota {dimensions = array<i32: 0>} : vector<2048x128xi32>
    %eq3A_323 = vector.broadcast %slice3A_321 : vector<1x128xi32> to vector<2048x128xi32>
    %eq3A_324 = arith.cmpi eq, %iota3A_322, %eq3A_323 : vector<2048x128xi32>
    %jit3A_325 = arith.constant 1.000000e+00 : f32
    %jit3A_326 = arith.constant 0.000000e+00 : f32
    %broadcast_in_dim3A_327 = vector.broadcast %jit3A_325 : f32 to vector<2048x128xf32>
    %broadcast_in_dim3A_328 = vector.broadcast %jit3A_326 : f32 to vector<2048x128xf32>
    %select_n3A_329 = arith.select %eq3A_324, %broadcast_in_dim3A_327, %broadcast_in_dim3A_328 : vector<2048x128xi1>, vector<2048x128xf32>
    %dot_general3A_330 = arith.constant dense<0.000000e+00> : vector<128x128xf32>
    %dot_general3A_331 = tpu.matmul %get3A_8, %select_n3A_329, %dot_general3A_330 {dimension_numbers = #tpu.dot_dimension_numbers<[1], [0], [0], [1], [0, 0, 1, 1], [], []>, precision = #tpu.contract_precision<fp32>, transpose_lhs_hint = false} : vector<128x2048xf32>, vector<2048x128xf32>, vector<128x128xf32> -> vector<128x128xf32>
    %slice3A_332 = vector.extract_strided_slice %get3A_13 {offsets = [29, 0], sizes = [1, 128], strides = [1, 1]} : vector<32x128xi32> to vector<1x128xi32>
    %iota3A_333 = tpu.iota {dimensions = array<i32: 0>} : vector<2048x128xi32>
    %eq3A_334 = vector.broadcast %slice3A_332 : vector<1x128xi32> to vector<2048x128xi32>
    %eq3A_335 = arith.cmpi eq, %iota3A_333, %eq3A_334 : vector<2048x128xi32>
    %jit3A_336 = arith.constant 1.000000e+00 : f32
    %jit3A_337 = arith.constant 0.000000e+00 : f32
    %broadcast_in_dim3A_338 = vector.broadcast %jit3A_336 : f32 to vector<2048x128xf32>
    %broadcast_in_dim3A_339 = vector.broadcast %jit3A_337 : f32 to vector<2048x128xf32>
    %select_n3A_340 = arith.select %eq3A_335, %broadcast_in_dim3A_338, %broadcast_in_dim3A_339 : vector<2048x128xi1>, vector<2048x128xf32>
    %dot_general3A_341 = arith.constant dense<0.000000e+00> : vector<128x128xf32>
    %dot_general3A_342 = tpu.matmul %get3A_8, %select_n3A_340, %dot_general3A_341 {dimension_numbers = #tpu.dot_dimension_numbers<[1], [0], [0], [1], [0, 0, 1, 1], [], []>, precision = #tpu.contract_precision<fp32>, transpose_lhs_hint = false} : vector<128x2048xf32>, vector<2048x128xf32>, vector<128x128xf32> -> vector<128x128xf32>
    %slice3A_343 = vector.extract_strided_slice %get3A_13 {offsets = [30, 0], sizes = [1, 128], strides = [1, 1]} : vector<32x128xi32> to vector<1x128xi32>
    %iota3A_344 = tpu.iota {dimensions = array<i32: 0>} : vector<2048x128xi32>
    %eq3A_345 = vector.broadcast %slice3A_343 : vector<1x128xi32> to vector<2048x128xi32>
    %eq3A_346 = arith.cmpi eq, %iota3A_344, %eq3A_345 : vector<2048x128xi32>
    %jit3A_347 = arith.constant 1.000000e+00 : f32
    %jit3A_348 = arith.constant 0.000000e+00 : f32
    %broadcast_in_dim3A_349 = vector.broadcast %jit3A_347 : f32 to vector<2048x128xf32>
    %broadcast_in_dim3A_350 = vector.broadcast %jit3A_348 : f32 to vector<2048x128xf32>
    %select_n3A_351 = arith.select %eq3A_346, %broadcast_in_dim3A_349, %broadcast_in_dim3A_350 : vector<2048x128xi1>, vector<2048x128xf32>
    %dot_general3A_352 = arith.constant dense<0.000000e+00> : vector<128x128xf32>
    %dot_general3A_353 = tpu.matmul %get3A_8, %select_n3A_351, %dot_general3A_352 {dimension_numbers = #tpu.dot_dimension_numbers<[1], [0], [0], [1], [0, 0, 1, 1], [], []>, precision = #tpu.contract_precision<fp32>, transpose_lhs_hint = false} : vector<128x2048xf32>, vector<2048x128xf32>, vector<128x128xf32> -> vector<128x128xf32>
    %slice3A_354 = vector.extract_strided_slice %get3A_13 {offsets = [31, 0], sizes = [1, 128], strides = [1, 1]} : vector<32x128xi32> to vector<1x128xi32>
    %iota3A_355 = tpu.iota {dimensions = array<i32: 0>} : vector<2048x128xi32>
    %eq3A_356 = vector.broadcast %slice3A_354 : vector<1x128xi32> to vector<2048x128xi32>
    %eq3A_357 = arith.cmpi eq, %iota3A_355, %eq3A_356 : vector<2048x128xi32>
    %jit3A_358 = arith.constant 1.000000e+00 : f32
    %jit3A_359 = arith.constant 0.000000e+00 : f32
    %broadcast_in_dim3A_360 = vector.broadcast %jit3A_358 : f32 to vector<2048x128xf32>
    %broadcast_in_dim3A_361 = vector.broadcast %jit3A_359 : f32 to vector<2048x128xf32>
    %select_n3A_362 = arith.select %eq3A_357, %broadcast_in_dim3A_360, %broadcast_in_dim3A_361 : vector<2048x128xi1>, vector<2048x128xf32>
    %dot_general3A_363 = arith.constant dense<0.000000e+00> : vector<128x128xf32>
    %dot_general3A_364 = tpu.matmul %get3A_8, %select_n3A_362, %dot_general3A_363 {dimension_numbers = #tpu.dot_dimension_numbers<[1], [0], [0], [1], [0, 0, 1, 1], [], []>, precision = #tpu.contract_precision<fp32>, transpose_lhs_hint = false} : vector<128x2048xf32>, vector<2048x128xf32>, vector<128x128xf32> -> vector<128x128xf32>
    %concatenate3A = tpu.concatenate %dot_general3A_23, %dot_general3A_34, %dot_general3A_45, %dot_general3A_56, %dot_general3A_67, %dot_general3A_78, %dot_general3A_89, %dot_general3A_100, %dot_general3A_111, %dot_general3A_122, %dot_general3A_133, %dot_general3A_144, %dot_general3A_155, %dot_general3A_166, %dot_general3A_177, %dot_general3A_188, %dot_general3A_199, %dot_general3A_210, %dot_general3A_221, %dot_general3A_232, %dot_general3A_243, %dot_general3A_254, %dot_general3A_265, %dot_general3A_276, %dot_general3A_287, %dot_general3A_298, %dot_general3A_309, %dot_general3A_320, %dot_general3A_331, %dot_general3A_342, %dot_general3A_353, %dot_general3A_364 in 1 : vector<128x128xf32>, vector<128x128xf32>, vector<128x128xf32>, vector<128x128xf32>, vector<128x128xf32>, vector<128x128xf32>, vector<128x128xf32>, vector<128x128xf32>, vector<128x128xf32>, vector<128x128xf32>, vector<128x128xf32>, vector<128x128xf32>, vector<128x128xf32>, vector<128x128xf32>, vector<128x128xf32>, vector<128x128xf32>, vector<128x128xf32>, vector<128x128xf32>, vector<128x128xf32>, vector<128x128xf32>, vector<128x128xf32>, vector<128x128xf32>, vector<128x128xf32>, vector<128x128xf32>, vector<128x128xf32>, vector<128x128xf32>, vector<128x128xf32>, vector<128x128xf32>, vector<128x128xf32>, vector<128x128xf32>, vector<128x128xf32>, vector<128x128xf32> -> vector<128x4096xf32>
    %concatenate3A_365 = tpu.concatenate %get3A_3, %get3A_3, %get3A_3, %get3A_3, %get3A_3, %get3A_3, %get3A_3, %get3A_3, %get3A_3, %get3A_3, %get3A_3, %get3A_3, %get3A_3, %get3A_3, %get3A_3, %get3A_3, %get3A_3, %get3A_3, %get3A_3, %get3A_3, %get3A_3, %get3A_3, %get3A_3, %get3A_3, %get3A_3, %get3A_3, %get3A_3, %get3A_3, %get3A_3, %get3A_3, %get3A_3, %get3A_3 in 1 : vector<128x128xf32>, vector<128x128xf32>, vector<128x128xf32>, vector<128x128xf32>, vector<128x128xf32>, vector<128x128xf32>, vector<128x128xf32>, vector<128x128xf32>, vector<128x128xf32>, vector<128x128xf32>, vector<128x128xf32>, vector<128x128xf32>, vector<128x128xf32>, vector<128x128xf32>, vector<128x128xf32>, vector<128x128xf32>, vector<128x128xf32>, vector<128x128xf32>, vector<128x128xf32>, vector<128x128xf32>, vector<128x128xf32>, vector<128x128xf32>, vector<128x128xf32>, vector<128x128xf32>, vector<128x128xf32>, vector<128x128xf32>, vector<128x128xf32>, vector<128x128xf32>, vector<128x128xf32>, vector<128x128xf32>, vector<128x128xf32>, vector<128x128xf32> -> vector<128x4096xf32>
    %sub3A = arith.subf %concatenate3A, %concatenate3A_365 : vector<128x4096xf32>
    %dot_general3A_366 = arith.constant dense<0.000000e+00> : vector<128x4096xf32>
    %dot_general3A_367 = tpu.matmul %get3A_19, %sub3A, %dot_general3A_366 {dimension_numbers = #tpu.dot_dimension_numbers<[1], [0], [0], [1], [0, 0, 1, 1], [], []>, transpose_lhs_hint = false} : vector<128x128xf32>, vector<128x4096xf32>, vector<128x4096xf32> -> vector<128x4096xf32>
    %dot_general3A_368 = arith.constant dense<0.000000e+00> : vector<128x128xf32>
    %dot_general3A_369 = tpu.matmul %get3A_16, %get3A_3, %dot_general3A_368 {dimension_numbers = #tpu.dot_dimension_numbers<[1], [0], [0], [1], [0, 0, 1, 1], [], []>, transpose_lhs_hint = false} : vector<128x128xf32>, vector<128x128xf32>, vector<128x128xf32> -> vector<128x128xf32>
    %concatenate3A_370 = tpu.concatenate %dot_general3A_369, %dot_general3A_369, %dot_general3A_369, %dot_general3A_369, %dot_general3A_369, %dot_general3A_369, %dot_general3A_369, %dot_general3A_369, %dot_general3A_369, %dot_general3A_369, %dot_general3A_369, %dot_general3A_369, %dot_general3A_369, %dot_general3A_369, %dot_general3A_369, %dot_general3A_369, %dot_general3A_369, %dot_general3A_369, %dot_general3A_369, %dot_general3A_369, %dot_general3A_369, %dot_general3A_369, %dot_general3A_369, %dot_general3A_369, %dot_general3A_369, %dot_general3A_369, %dot_general3A_369, %dot_general3A_369, %dot_general3A_369, %dot_general3A_369, %dot_general3A_369, %dot_general3A_369 in 1 : vector<128x128xf32>, vector<128x128xf32>, vector<128x128xf32>, vector<128x128xf32>, vector<128x128xf32>, vector<128x128xf32>, vector<128x128xf32>, vector<128x128xf32>, vector<128x128xf32>, vector<128x128xf32>, vector<128x128xf32>, vector<128x128xf32>, vector<128x128xf32>, vector<128x128xf32>, vector<128x128xf32>, vector<128x128xf32>, vector<128x128xf32>, vector<128x128xf32>, vector<128x128xf32>, vector<128x128xf32>, vector<128x128xf32>, vector<128x128xf32>, vector<128x128xf32>, vector<128x128xf32>, vector<128x128xf32>, vector<128x128xf32>, vector<128x128xf32>, vector<128x128xf32>, vector<128x128xf32>, vector<128x128xf32>, vector<128x128xf32>, vector<128x128xf32> -> vector<128x4096xf32>
    %mul3A = arith.mulf %concatenate3A_370, %dot_general3A_367 : vector<128x4096xf32>
    %reshape3A = vector.shape_cast %mul3A : vector<128x4096xf32> to vector<4x32x4096xf32>
    %reduce_sum3A = arith.constant dense<0.000000e+00> : vector<4x4096xf32>
    %reduce_sum3A_371 = vector.multi_reduction <add>, %reshape3A, %reduce_sum3A [1] : vector<4x32x4096xf32> to vector<4x4096xf32>
    %reshape3A_372 = vector.shape_cast %reduce_sum3A_371 : vector<4x4096xf32> to vector<4x32x128xf32>
    %transpose3A = tpu.transpose %reshape3A_372, [0, 2, 1] : vector<4x32x128xf32> -> vector<4x128x32xf32>
    %mul3A_373 = arith.constant 0.176776692 : f32
    %mul3A_374 = vector.broadcast %mul3A_373 : f32 to vector<4x128x32xf32>
    %mul3A_375 = arith.mulf %transpose3A, %mul3A_374 : vector<4x128x32xf32>
    %reduce_max3A = arith.constant dense<0xFF800000> : vector<4x128xf32>
    %reduce_max3A_376 = vector.multi_reduction <maximumf>, %mul3A_375, %reduce_max3A [2] : vector<4x128x32xf32> to vector<4x128xf32>
    %broadcast_in_dim3A_377 = vector.shape_cast %reduce_max3A_376 : vector<4x128xf32> to vector<4x128x1xf32>
    %sub3A_378 = vector.broadcast %broadcast_in_dim3A_377 : vector<4x128x1xf32> to vector<4x128x32xf32>
    %sub3A_379 = arith.subf %mul3A_375, %sub3A_378 : vector<4x128x32xf32>
    %mul3A_380 = arith.constant 1.44269502 : f32
    %mul3A_381 = vector.broadcast %mul3A_380 : f32 to vector<4x128x32xf32>
    %mul3A_382 = arith.mulf %sub3A_379, %mul3A_381 : vector<4x128x32xf32>
    %exp23A = math.exp2 %mul3A_382 : vector<4x128x32xf32>
    %reduce_sum3A_383 = arith.constant dense<0.000000e+00> : vector<4x128xf32>
    %reduce_sum3A_384 = vector.multi_reduction <add>, %exp23A, %reduce_sum3A_383 [2] : vector<4x128x32xf32> to vector<4x128xf32>
    %broadcast_in_dim3A_385 = vector.shape_cast %reduce_sum3A_384 : vector<4x128xf32> to vector<4x128x1xf32>
    %reciprocal3A = tpu.reciprocal %broadcast_in_dim3A_385 {approx = true} : vector<4x128x1xf32> -> vector<4x128x1xf32>
    %mul3A_386 = vector.broadcast %reciprocal3A : vector<4x128x1xf32> to vector<4x128x32xf32>
    %mul3A_387 = arith.mulf %exp23A, %mul3A_386 : vector<4x128x32xf32>
    %transpose3A_388 = tpu.transpose %mul3A_387, [0, 2, 1] : vector<4x128x32xf32> -> vector<4x32x128xf32>
    %reduce_sum3A_389 = arith.constant dense<0.000000e+00> : vector<4x128xf32>
    %reduce_sum3A_390 = vector.multi_reduction <add>, %transpose3A_388, %reduce_sum3A_389 [1] : vector<4x32x128xf32> to vector<4x128xf32>
    %broadcast_in_dim3A_391 = vector.shape_cast %reduce_sum3A_390 : vector<4x128xf32> to vector<4x1x128xf32>
    %mul3A_392 = arith.constant 3.125000e-02 : f32
    %mul3A_393 = vector.broadcast %mul3A_392 : f32 to vector<4x1x128xf32>
    %mul3A_394 = arith.mulf %broadcast_in_dim3A_391, %mul3A_393 : vector<4x1x128xf32>
    %sub3A_395 = vector.broadcast %mul3A_394 : vector<4x1x128xf32> to vector<4x32x128xf32>
    %sub3A_396 = arith.subf %transpose3A_388, %sub3A_395 : vector<4x32x128xf32>
    %mul3A_397 = arith.mulf %sub3A_396, %sub3A_396 : vector<4x32x128xf32>
    %reduce_sum3A_398 = arith.constant dense<0.000000e+00> : vector<4x128xf32>
    %reduce_sum3A_399 = vector.multi_reduction <add>, %mul3A_397, %reduce_sum3A_398 [1] : vector<4x32x128xf32> to vector<4x128xf32>
    %mul3A_400 = arith.constant 3.125000e-02 : f32
    %mul3A_401 = vector.broadcast %mul3A_400 : f32 to vector<4x128xf32>
    %mul3A_402 = arith.mulf %reduce_sum3A_399, %mul3A_401 : vector<4x128xf32>
    %sqrt3A = math.sqrt %mul3A_402 : vector<4x128xf32>
    %swap3A = arith.constant 0 : index
    %swap3A_403 = arith.constant 0 : index
    %swap3A_404 = arith.constant 0 : index
    %swap3A_405 = vector.load %arg9[%swap3A, %swap3A_403, %swap3A_404] : memref<1x4x128xf32, #tpu.memory_space<vmem>>, vector<1x4x128xf32>
    %swap3A_406 = vector.shape_cast %swap3A_405 : vector<1x4x128xf32> to vector<4x128xf32>
    %swap3A_407 = vector.shape_cast %sqrt3A : vector<4x128xf32> to vector<1x4x128xf32>
    tpu.vector_store %arg9[%swap3A, %swap3A_403, %swap3A_404], %swap3A_407 {strides = array<i32>} : memref<1x4x128xf32, #tpu.memory_space<vmem>>, vector<1x4x128xf32>,
    %get3A_408 = arith.constant 0 : index
    %get3A_409 = arith.constant 0 : index
    %get3A_410 = vector.load %arg7[%get3A_408, %get3A_409] : memref<128x128xf32, #tpu.memory_space<vmem>>, vector<128x128xf32>
    %dot_general3A_411 = arith.constant dense<0.000000e+00> : vector<128x4096xf32>
    %dot_general3A_412 = tpu.matmul %get3A_410, %sub3A, %dot_general3A_411 {dimension_numbers = #tpu.dot_dimension_numbers<[1], [0], [0], [1], [0, 0, 1, 1], [], []>, transpose_lhs_hint = false} : vector<128x128xf32>, vector<128x4096xf32>, vector<128x4096xf32> -> vector<128x4096xf32>
    %broadcast_in_dim3A_413 = arith.constant 0.000000e+00 : f32
    %broadcast_in_dim3A_414 = vector.broadcast %broadcast_in_dim3A_413 : f32 to vector<128x128xf32>
    %slice3A_415 = vector.extract_strided_slice %transpose3A_388 {offsets = [0, 0, 0], sizes = [4, 1, 128], strides = [1, 1, 1]} : vector<4x32x128xf32> to vector<4x1x128xf32>
    %broadcast_in_dim3A_416 = vector.shape_cast %slice3A_415 : vector<4x1x128xf32> to vector<4x1x128xf32>
    %broadcast_in_dim3A_417 = vector.broadcast %broadcast_in_dim3A_416 : vector<4x1x128xf32> to vector<4x32x128xf32>
    %reshape3A_418 = vector.shape_cast %broadcast_in_dim3A_417 : vector<4x32x128xf32> to vector<128x128xf32>
    %slice3A_419 = vector.extract_strided_slice %dot_general3A_412 {offsets = [0, 0], sizes = [128, 128], strides = [1, 1]} : vector<128x4096xf32> to vector<128x128xf32>
    %mul3A_420 = arith.mulf %reshape3A_418, %slice3A_419 : vector<128x128xf32>
    %add3A = arith.addf %broadcast_in_dim3A_414, %mul3A_420 : vector<128x128xf32>
    %slice3A_421 = vector.extract_strided_slice %transpose3A_388 {offsets = [0, 1, 0], sizes = [4, 1, 128], strides = [1, 1, 1]} : vector<4x32x128xf32> to vector<4x1x128xf32>
    %broadcast_in_dim3A_422 = vector.shape_cast %slice3A_421 : vector<4x1x128xf32> to vector<4x1x128xf32>
    %broadcast_in_dim3A_423 = vector.broadcast %broadcast_in_dim3A_422 : vector<4x1x128xf32> to vector<4x32x128xf32>
    %reshape3A_424 = vector.shape_cast %broadcast_in_dim3A_423 : vector<4x32x128xf32> to vector<128x128xf32>
    %slice3A_425 = vector.extract_strided_slice %dot_general3A_412 {offsets = [0, 128], sizes = [128, 128], strides = [1, 1]} : vector<128x4096xf32> to vector<128x128xf32>
    %mul3A_426 = arith.mulf %reshape3A_424, %slice3A_425 : vector<128x128xf32>
    %add3A_427 = arith.addf %add3A, %mul3A_426 : vector<128x128xf32>
    %slice3A_428 = vector.extract_strided_slice %transpose3A_388 {offsets = [0, 2, 0], sizes = [4, 1, 128], strides = [1, 1, 1]} : vector<4x32x128xf32> to vector<4x1x128xf32>
    %broadcast_in_dim3A_429 = vector.shape_cast %slice3A_428 : vector<4x1x128xf32> to vector<4x1x128xf32>
    %broadcast_in_dim3A_430 = vector.broadcast %broadcast_in_dim3A_429 : vector<4x1x128xf32> to vector<4x32x128xf32>
    %reshape3A_431 = vector.shape_cast %broadcast_in_dim3A_430 : vector<4x32x128xf32> to vector<128x128xf32>
    %slice3A_432 = vector.extract_strided_slice %dot_general3A_412 {offsets = [0, 256], sizes = [128, 128], strides = [1, 1]} : vector<128x4096xf32> to vector<128x128xf32>
    %mul3A_433 = arith.mulf %reshape3A_431, %slice3A_432 : vector<128x128xf32>
    %add3A_434 = arith.addf %add3A_427, %mul3A_433 : vector<128x128xf32>
    %slice3A_435 = vector.extract_strided_slice %transpose3A_388 {offsets = [0, 3, 0], sizes = [4, 1, 128], strides = [1, 1, 1]} : vector<4x32x128xf32> to vector<4x1x128xf32>
    %broadcast_in_dim3A_436 = vector.shape_cast %slice3A_435 : vector<4x1x128xf32> to vector<4x1x128xf32>
    %broadcast_in_dim3A_437 = vector.broadcast %broadcast_in_dim3A_436 : vector<4x1x128xf32> to vector<4x32x128xf32>
    %reshape3A_438 = vector.shape_cast %broadcast_in_dim3A_437 : vector<4x32x128xf32> to vector<128x128xf32>
    %slice3A_439 = vector.extract_strided_slice %dot_general3A_412 {offsets = [0, 384], sizes = [128, 128], strides = [1, 1]} : vector<128x4096xf32> to vector<128x128xf32>
    %mul3A_440 = arith.mulf %reshape3A_438, %slice3A_439 : vector<128x128xf32>
    %add3A_441 = arith.addf %add3A_434, %mul3A_440 : vector<128x128xf32>
    %slice3A_442 = vector.extract_strided_slice %transpose3A_388 {offsets = [0, 4, 0], sizes = [4, 1, 128], strides = [1, 1, 1]} : vector<4x32x128xf32> to vector<4x1x128xf32>
    %broadcast_in_dim3A_443 = vector.shape_cast %slice3A_442 : vector<4x1x128xf32> to vector<4x1x128xf32>
    %broadcast_in_dim3A_444 = vector.broadcast %broadcast_in_dim3A_443 : vector<4x1x128xf32> to vector<4x32x128xf32>
    %reshape3A_445 = vector.shape_cast %broadcast_in_dim3A_444 : vector<4x32x128xf32> to vector<128x128xf32>
    %slice3A_446 = vector.extract_strided_slice %dot_general3A_412 {offsets = [0, 512], sizes = [128, 128], strides = [1, 1]} : vector<128x4096xf32> to vector<128x128xf32>
    %mul3A_447 = arith.mulf %reshape3A_445, %slice3A_446 : vector<128x128xf32>
    %add3A_448 = arith.addf %add3A_441, %mul3A_447 : vector<128x128xf32>
    %slice3A_449 = vector.extract_strided_slice %transpose3A_388 {offsets = [0, 5, 0], sizes = [4, 1, 128], strides = [1, 1, 1]} : vector<4x32x128xf32> to vector<4x1x128xf32>
    %broadcast_in_dim3A_450 = vector.shape_cast %slice3A_449 : vector<4x1x128xf32> to vector<4x1x128xf32>
    %broadcast_in_dim3A_451 = vector.broadcast %broadcast_in_dim3A_450 : vector<4x1x128xf32> to vector<4x32x128xf32>
    %reshape3A_452 = vector.shape_cast %broadcast_in_dim3A_451 : vector<4x32x128xf32> to vector<128x128xf32>
    %slice3A_453 = vector.extract_strided_slice %dot_general3A_412 {offsets = [0, 640], sizes = [128, 128], strides = [1, 1]} : vector<128x4096xf32> to vector<128x128xf32>
    %mul3A_454 = arith.mulf %reshape3A_452, %slice3A_453 : vector<128x128xf32>
    %add3A_455 = arith.addf %add3A_448, %mul3A_454 : vector<128x128xf32>
    %slice3A_456 = vector.extract_strided_slice %transpose3A_388 {offsets = [0, 6, 0], sizes = [4, 1, 128], strides = [1, 1, 1]} : vector<4x32x128xf32> to vector<4x1x128xf32>
    %broadcast_in_dim3A_457 = vector.shape_cast %slice3A_456 : vector<4x1x128xf32> to vector<4x1x128xf32>
    %broadcast_in_dim3A_458 = vector.broadcast %broadcast_in_dim3A_457 : vector<4x1x128xf32> to vector<4x32x128xf32>
    %reshape3A_459 = vector.shape_cast %broadcast_in_dim3A_458 : vector<4x32x128xf32> to vector<128x128xf32>
    %slice3A_460 = vector.extract_strided_slice %dot_general3A_412 {offsets = [0, 768], sizes = [128, 128], strides = [1, 1]} : vector<128x4096xf32> to vector<128x128xf32>
    %mul3A_461 = arith.mulf %reshape3A_459, %slice3A_460 : vector<128x128xf32>
    %add3A_462 = arith.addf %add3A_455, %mul3A_461 : vector<128x128xf32>
    %slice3A_463 = vector.extract_strided_slice %transpose3A_388 {offsets = [0, 7, 0], sizes = [4, 1, 128], strides = [1, 1, 1]} : vector<4x32x128xf32> to vector<4x1x128xf32>
    %broadcast_in_dim3A_464 = vector.shape_cast %slice3A_463 : vector<4x1x128xf32> to vector<4x1x128xf32>
    %broadcast_in_dim3A_465 = vector.broadcast %broadcast_in_dim3A_464 : vector<4x1x128xf32> to vector<4x32x128xf32>
    %reshape3A_466 = vector.shape_cast %broadcast_in_dim3A_465 : vector<4x32x128xf32> to vector<128x128xf32>
    %slice3A_467 = vector.extract_strided_slice %dot_general3A_412 {offsets = [0, 896], sizes = [128, 128], strides = [1, 1]} : vector<128x4096xf32> to vector<128x128xf32>
    %mul3A_468 = arith.mulf %reshape3A_466, %slice3A_467 : vector<128x128xf32>
    %add3A_469 = arith.addf %add3A_462, %mul3A_468 : vector<128x128xf32>
    %slice3A_470 = vector.extract_strided_slice %transpose3A_388 {offsets = [0, 8, 0], sizes = [4, 1, 128], strides = [1, 1, 1]} : vector<4x32x128xf32> to vector<4x1x128xf32>
    %broadcast_in_dim3A_471 = vector.shape_cast %slice3A_470 : vector<4x1x128xf32> to vector<4x1x128xf32>
    %broadcast_in_dim3A_472 = vector.broadcast %broadcast_in_dim3A_471 : vector<4x1x128xf32> to vector<4x32x128xf32>
    %reshape3A_473 = vector.shape_cast %broadcast_in_dim3A_472 : vector<4x32x128xf32> to vector<128x128xf32>
    %slice3A_474 = vector.extract_strided_slice %dot_general3A_412 {offsets = [0, 1024], sizes = [128, 128], strides = [1, 1]} : vector<128x4096xf32> to vector<128x128xf32>
    %mul3A_475 = arith.mulf %reshape3A_473, %slice3A_474 : vector<128x128xf32>
    %add3A_476 = arith.addf %add3A_469, %mul3A_475 : vector<128x128xf32>
    %slice3A_477 = vector.extract_strided_slice %transpose3A_388 {offsets = [0, 9, 0], sizes = [4, 1, 128], strides = [1, 1, 1]} : vector<4x32x128xf32> to vector<4x1x128xf32>
    %broadcast_in_dim3A_478 = vector.shape_cast %slice3A_477 : vector<4x1x128xf32> to vector<4x1x128xf32>
    %broadcast_in_dim3A_479 = vector.broadcast %broadcast_in_dim3A_478 : vector<4x1x128xf32> to vector<4x32x128xf32>
    %reshape3A_480 = vector.shape_cast %broadcast_in_dim3A_479 : vector<4x32x128xf32> to vector<128x128xf32>
    %slice3A_481 = vector.extract_strided_slice %dot_general3A_412 {offsets = [0, 1152], sizes = [128, 128], strides = [1, 1]} : vector<128x4096xf32> to vector<128x128xf32>
    %mul3A_482 = arith.mulf %reshape3A_480, %slice3A_481 : vector<128x128xf32>
    %add3A_483 = arith.addf %add3A_476, %mul3A_482 : vector<128x128xf32>
    %slice3A_484 = vector.extract_strided_slice %transpose3A_388 {offsets = [0, 10, 0], sizes = [4, 1, 128], strides = [1, 1, 1]} : vector<4x32x128xf32> to vector<4x1x128xf32>
    %broadcast_in_dim3A_485 = vector.shape_cast %slice3A_484 : vector<4x1x128xf32> to vector<4x1x128xf32>
    %broadcast_in_dim3A_486 = vector.broadcast %broadcast_in_dim3A_485 : vector<4x1x128xf32> to vector<4x32x128xf32>
    %reshape3A_487 = vector.shape_cast %broadcast_in_dim3A_486 : vector<4x32x128xf32> to vector<128x128xf32>
    %slice3A_488 = vector.extract_strided_slice %dot_general3A_412 {offsets = [0, 1280], sizes = [128, 128], strides = [1, 1]} : vector<128x4096xf32> to vector<128x128xf32>
    %mul3A_489 = arith.mulf %reshape3A_487, %slice3A_488 : vector<128x128xf32>
    %add3A_490 = arith.addf %add3A_483, %mul3A_489 : vector<128x128xf32>
    %slice3A_491 = vector.extract_strided_slice %transpose3A_388 {offsets = [0, 11, 0], sizes = [4, 1, 128], strides = [1, 1, 1]} : vector<4x32x128xf32> to vector<4x1x128xf32>
    %broadcast_in_dim3A_492 = vector.shape_cast %slice3A_491 : vector<4x1x128xf32> to vector<4x1x128xf32>
    %broadcast_in_dim3A_493 = vector.broadcast %broadcast_in_dim3A_492 : vector<4x1x128xf32> to vector<4x32x128xf32>
    %reshape3A_494 = vector.shape_cast %broadcast_in_dim3A_493 : vector<4x32x128xf32> to vector<128x128xf32>
    %slice3A_495 = vector.extract_strided_slice %dot_general3A_412 {offsets = [0, 1408], sizes = [128, 128], strides = [1, 1]} : vector<128x4096xf32> to vector<128x128xf32>
    %mul3A_496 = arith.mulf %reshape3A_494, %slice3A_495 : vector<128x128xf32>
    %add3A_497 = arith.addf %add3A_490, %mul3A_496 : vector<128x128xf32>
    %slice3A_498 = vector.extract_strided_slice %transpose3A_388 {offsets = [0, 12, 0], sizes = [4, 1, 128], strides = [1, 1, 1]} : vector<4x32x128xf32> to vector<4x1x128xf32>
    %broadcast_in_dim3A_499 = vector.shape_cast %slice3A_498 : vector<4x1x128xf32> to vector<4x1x128xf32>
    %broadcast_in_dim3A_500 = vector.broadcast %broadcast_in_dim3A_499 : vector<4x1x128xf32> to vector<4x32x128xf32>
    %reshape3A_501 = vector.shape_cast %broadcast_in_dim3A_500 : vector<4x32x128xf32> to vector<128x128xf32>
    %slice3A_502 = vector.extract_strided_slice %dot_general3A_412 {offsets = [0, 1536], sizes = [128, 128], strides = [1, 1]} : vector<128x4096xf32> to vector<128x128xf32>
    %mul3A_503 = arith.mulf %reshape3A_501, %slice3A_502 : vector<128x128xf32>
    %add3A_504 = arith.addf %add3A_497, %mul3A_503 : vector<128x128xf32>
    %slice3A_505 = vector.extract_strided_slice %transpose3A_388 {offsets = [0, 13, 0], sizes = [4, 1, 128], strides = [1, 1, 1]} : vector<4x32x128xf32> to vector<4x1x128xf32>
    %broadcast_in_dim3A_506 = vector.shape_cast %slice3A_505 : vector<4x1x128xf32> to vector<4x1x128xf32>
    %broadcast_in_dim3A_507 = vector.broadcast %broadcast_in_dim3A_506 : vector<4x1x128xf32> to vector<4x32x128xf32>
    %reshape3A_508 = vector.shape_cast %broadcast_in_dim3A_507 : vector<4x32x128xf32> to vector<128x128xf32>
    %slice3A_509 = vector.extract_strided_slice %dot_general3A_412 {offsets = [0, 1664], sizes = [128, 128], strides = [1, 1]} : vector<128x4096xf32> to vector<128x128xf32>
    %mul3A_510 = arith.mulf %reshape3A_508, %slice3A_509 : vector<128x128xf32>
    %add3A_511 = arith.addf %add3A_504, %mul3A_510 : vector<128x128xf32>
    %slice3A_512 = vector.extract_strided_slice %transpose3A_388 {offsets = [0, 14, 0], sizes = [4, 1, 128], strides = [1, 1, 1]} : vector<4x32x128xf32> to vector<4x1x128xf32>
    %broadcast_in_dim3A_513 = vector.shape_cast %slice3A_512 : vector<4x1x128xf32> to vector<4x1x128xf32>
    %broadcast_in_dim3A_514 = vector.broadcast %broadcast_in_dim3A_513 : vector<4x1x128xf32> to vector<4x32x128xf32>
    %reshape3A_515 = vector.shape_cast %broadcast_in_dim3A_514 : vector<4x32x128xf32> to vector<128x128xf32>
    %slice3A_516 = vector.extract_strided_slice %dot_general3A_412 {offsets = [0, 1792], sizes = [128, 128], strides = [1, 1]} : vector<128x4096xf32> to vector<128x128xf32>
    %mul3A_517 = arith.mulf %reshape3A_515, %slice3A_516 : vector<128x128xf32>
    %add3A_518 = arith.addf %add3A_511, %mul3A_517 : vector<128x128xf32>
    %slice3A_519 = vector.extract_strided_slice %transpose3A_388 {offsets = [0, 15, 0], sizes = [4, 1, 128], strides = [1, 1, 1]} : vector<4x32x128xf32> to vector<4x1x128xf32>
    %broadcast_in_dim3A_520 = vector.shape_cast %slice3A_519 : vector<4x1x128xf32> to vector<4x1x128xf32>
    %broadcast_in_dim3A_521 = vector.broadcast %broadcast_in_dim3A_520 : vector<4x1x128xf32> to vector<4x32x128xf32>
    %reshape3A_522 = vector.shape_cast %broadcast_in_dim3A_521 : vector<4x32x128xf32> to vector<128x128xf32>
    %slice3A_523 = vector.extract_strided_slice %dot_general3A_412 {offsets = [0, 1920], sizes = [128, 128], strides = [1, 1]} : vector<128x4096xf32> to vector<128x128xf32>
    %mul3A_524 = arith.mulf %reshape3A_522, %slice3A_523 : vector<128x128xf32>
    %add3A_525 = arith.addf %add3A_518, %mul3A_524 : vector<128x128xf32>
    %slice3A_526 = vector.extract_strided_slice %transpose3A_388 {offsets = [0, 16, 0], sizes = [4, 1, 128], strides = [1, 1, 1]} : vector<4x32x128xf32> to vector<4x1x128xf32>
    %broadcast_in_dim3A_527 = vector.shape_cast %slice3A_526 : vector<4x1x128xf32> to vector<4x1x128xf32>
    %broadcast_in_dim3A_528 = vector.broadcast %broadcast_in_dim3A_527 : vector<4x1x128xf32> to vector<4x32x128xf32>
    %reshape3A_529 = vector.shape_cast %broadcast_in_dim3A_528 : vector<4x32x128xf32> to vector<128x128xf32>
    %slice3A_530 = vector.extract_strided_slice %dot_general3A_412 {offsets = [0, 2048], sizes = [128, 128], strides = [1, 1]} : vector<128x4096xf32> to vector<128x128xf32>
    %mul3A_531 = arith.mulf %reshape3A_529, %slice3A_530 : vector<128x128xf32>
    %add3A_532 = arith.addf %add3A_525, %mul3A_531 : vector<128x128xf32>
    %slice3A_533 = vector.extract_strided_slice %transpose3A_388 {offsets = [0, 17, 0], sizes = [4, 1, 128], strides = [1, 1, 1]} : vector<4x32x128xf32> to vector<4x1x128xf32>
    %broadcast_in_dim3A_534 = vector.shape_cast %slice3A_533 : vector<4x1x128xf32> to vector<4x1x128xf32>
    %broadcast_in_dim3A_535 = vector.broadcast %broadcast_in_dim3A_534 : vector<4x1x128xf32> to vector<4x32x128xf32>
    %reshape3A_536 = vector.shape_cast %broadcast_in_dim3A_535 : vector<4x32x128xf32> to vector<128x128xf32>
    %slice3A_537 = vector.extract_strided_slice %dot_general3A_412 {offsets = [0, 2176], sizes = [128, 128], strides = [1, 1]} : vector<128x4096xf32> to vector<128x128xf32>
    %mul3A_538 = arith.mulf %reshape3A_536, %slice3A_537 : vector<128x128xf32>
    %add3A_539 = arith.addf %add3A_532, %mul3A_538 : vector<128x128xf32>
    %slice3A_540 = vector.extract_strided_slice %transpose3A_388 {offsets = [0, 18, 0], sizes = [4, 1, 128], strides = [1, 1, 1]} : vector<4x32x128xf32> to vector<4x1x128xf32>
    %broadcast_in_dim3A_541 = vector.shape_cast %slice3A_540 : vector<4x1x128xf32> to vector<4x1x128xf32>
    %broadcast_in_dim3A_542 = vector.broadcast %broadcast_in_dim3A_541 : vector<4x1x128xf32> to vector<4x32x128xf32>
    %reshape3A_543 = vector.shape_cast %broadcast_in_dim3A_542 : vector<4x32x128xf32> to vector<128x128xf32>
    %slice3A_544 = vector.extract_strided_slice %dot_general3A_412 {offsets = [0, 2304], sizes = [128, 128], strides = [1, 1]} : vector<128x4096xf32> to vector<128x128xf32>
    %mul3A_545 = arith.mulf %reshape3A_543, %slice3A_544 : vector<128x128xf32>
    %add3A_546 = arith.addf %add3A_539, %mul3A_545 : vector<128x128xf32>
    %slice3A_547 = vector.extract_strided_slice %transpose3A_388 {offsets = [0, 19, 0], sizes = [4, 1, 128], strides = [1, 1, 1]} : vector<4x32x128xf32> to vector<4x1x128xf32>
    %broadcast_in_dim3A_548 = vector.shape_cast %slice3A_547 : vector<4x1x128xf32> to vector<4x1x128xf32>
    %broadcast_in_dim3A_549 = vector.broadcast %broadcast_in_dim3A_548 : vector<4x1x128xf32> to vector<4x32x128xf32>
    %reshape3A_550 = vector.shape_cast %broadcast_in_dim3A_549 : vector<4x32x128xf32> to vector<128x128xf32>
    %slice3A_551 = vector.extract_strided_slice %dot_general3A_412 {offsets = [0, 2432], sizes = [128, 128], strides = [1, 1]} : vector<128x4096xf32> to vector<128x128xf32>
    %mul3A_552 = arith.mulf %reshape3A_550, %slice3A_551 : vector<128x128xf32>
    %add3A_553 = arith.addf %add3A_546, %mul3A_552 : vector<128x128xf32>
    %slice3A_554 = vector.extract_strided_slice %transpose3A_388 {offsets = [0, 20, 0], sizes = [4, 1, 128], strides = [1, 1, 1]} : vector<4x32x128xf32> to vector<4x1x128xf32>
    %broadcast_in_dim3A_555 = vector.shape_cast %slice3A_554 : vector<4x1x128xf32> to vector<4x1x128xf32>
    %broadcast_in_dim3A_556 = vector.broadcast %broadcast_in_dim3A_555 : vector<4x1x128xf32> to vector<4x32x128xf32>
    %reshape3A_557 = vector.shape_cast %broadcast_in_dim3A_556 : vector<4x32x128xf32> to vector<128x128xf32>
    %slice3A_558 = vector.extract_strided_slice %dot_general3A_412 {offsets = [0, 2560], sizes = [128, 128], strides = [1, 1]} : vector<128x4096xf32> to vector<128x128xf32>
    %mul3A_559 = arith.mulf %reshape3A_557, %slice3A_558 : vector<128x128xf32>
    %add3A_560 = arith.addf %add3A_553, %mul3A_559 : vector<128x128xf32>
    %slice3A_561 = vector.extract_strided_slice %transpose3A_388 {offsets = [0, 21, 0], sizes = [4, 1, 128], strides = [1, 1, 1]} : vector<4x32x128xf32> to vector<4x1x128xf32>
    %broadcast_in_dim3A_562 = vector.shape_cast %slice3A_561 : vector<4x1x128xf32> to vector<4x1x128xf32>
    %broadcast_in_dim3A_563 = vector.broadcast %broadcast_in_dim3A_562 : vector<4x1x128xf32> to vector<4x32x128xf32>
    %reshape3A_564 = vector.shape_cast %broadcast_in_dim3A_563 : vector<4x32x128xf32> to vector<128x128xf32>
    %slice3A_565 = vector.extract_strided_slice %dot_general3A_412 {offsets = [0, 2688], sizes = [128, 128], strides = [1, 1]} : vector<128x4096xf32> to vector<128x128xf32>
    %mul3A_566 = arith.mulf %reshape3A_564, %slice3A_565 : vector<128x128xf32>
    %add3A_567 = arith.addf %add3A_560, %mul3A_566 : vector<128x128xf32>
    %slice3A_568 = vector.extract_strided_slice %transpose3A_388 {offsets = [0, 22, 0], sizes = [4, 1, 128], strides = [1, 1, 1]} : vector<4x32x128xf32> to vector<4x1x128xf32>
    %broadcast_in_dim3A_569 = vector.shape_cast %slice3A_568 : vector<4x1x128xf32> to vector<4x1x128xf32>
    %broadcast_in_dim3A_570 = vector.broadcast %broadcast_in_dim3A_569 : vector<4x1x128xf32> to vector<4x32x128xf32>
    %reshape3A_571 = vector.shape_cast %broadcast_in_dim3A_570 : vector<4x32x128xf32> to vector<128x128xf32>
    %slice3A_572 = vector.extract_strided_slice %dot_general3A_412 {offsets = [0, 2816], sizes = [128, 128], strides = [1, 1]} : vector<128x4096xf32> to vector<128x128xf32>
    %mul3A_573 = arith.mulf %reshape3A_571, %slice3A_572 : vector<128x128xf32>
    %add3A_574 = arith.addf %add3A_567, %mul3A_573 : vector<128x128xf32>
    %slice3A_575 = vector.extract_strided_slice %transpose3A_388 {offsets = [0, 23, 0], sizes = [4, 1, 128], strides = [1, 1, 1]} : vector<4x32x128xf32> to vector<4x1x128xf32>
    %broadcast_in_dim3A_576 = vector.shape_cast %slice3A_575 : vector<4x1x128xf32> to vector<4x1x128xf32>
    %broadcast_in_dim3A_577 = vector.broadcast %broadcast_in_dim3A_576 : vector<4x1x128xf32> to vector<4x32x128xf32>
    %reshape3A_578 = vector.shape_cast %broadcast_in_dim3A_577 : vector<4x32x128xf32> to vector<128x128xf32>
    %slice3A_579 = vector.extract_strided_slice %dot_general3A_412 {offsets = [0, 2944], sizes = [128, 128], strides = [1, 1]} : vector<128x4096xf32> to vector<128x128xf32>
    %mul3A_580 = arith.mulf %reshape3A_578, %slice3A_579 : vector<128x128xf32>
    %add3A_581 = arith.addf %add3A_574, %mul3A_580 : vector<128x128xf32>
    %slice3A_582 = vector.extract_strided_slice %transpose3A_388 {offsets = [0, 24, 0], sizes = [4, 1, 128], strides = [1, 1, 1]} : vector<4x32x128xf32> to vector<4x1x128xf32>
    %broadcast_in_dim3A_583 = vector.shape_cast %slice3A_582 : vector<4x1x128xf32> to vector<4x1x128xf32>
    %broadcast_in_dim3A_584 = vector.broadcast %broadcast_in_dim3A_583 : vector<4x1x128xf32> to vector<4x32x128xf32>
    %reshape3A_585 = vector.shape_cast %broadcast_in_dim3A_584 : vector<4x32x128xf32> to vector<128x128xf32>
    %slice3A_586 = vector.extract_strided_slice %dot_general3A_412 {offsets = [0, 3072], sizes = [128, 128], strides = [1, 1]} : vector<128x4096xf32> to vector<128x128xf32>
    %mul3A_587 = arith.mulf %reshape3A_585, %slice3A_586 : vector<128x128xf32>
    %add3A_588 = arith.addf %add3A_581, %mul3A_587 : vector<128x128xf32>
    %slice3A_589 = vector.extract_strided_slice %transpose3A_388 {offsets = [0, 25, 0], sizes = [4, 1, 128], strides = [1, 1, 1]} : vector<4x32x128xf32> to vector<4x1x128xf32>
    %broadcast_in_dim3A_590 = vector.shape_cast %slice3A_589 : vector<4x1x128xf32> to vector<4x1x128xf32>
    %broadcast_in_dim3A_591 = vector.broadcast %broadcast_in_dim3A_590 : vector<4x1x128xf32> to vector<4x32x128xf32>
    %reshape3A_592 = vector.shape_cast %broadcast_in_dim3A_591 : vector<4x32x128xf32> to vector<128x128xf32>
    %slice3A_593 = vector.extract_strided_slice %dot_general3A_412 {offsets = [0, 3200], sizes = [128, 128], strides = [1, 1]} : vector<128x4096xf32> to vector<128x128xf32>
    %mul3A_594 = arith.mulf %reshape3A_592, %slice3A_593 : vector<128x128xf32>
    %add3A_595 = arith.addf %add3A_588, %mul3A_594 : vector<128x128xf32>
    %slice3A_596 = vector.extract_strided_slice %transpose3A_388 {offsets = [0, 26, 0], sizes = [4, 1, 128], strides = [1, 1, 1]} : vector<4x32x128xf32> to vector<4x1x128xf32>
    %broadcast_in_dim3A_597 = vector.shape_cast %slice3A_596 : vector<4x1x128xf32> to vector<4x1x128xf32>
    %broadcast_in_dim3A_598 = vector.broadcast %broadcast_in_dim3A_597 : vector<4x1x128xf32> to vector<4x32x128xf32>
    %reshape3A_599 = vector.shape_cast %broadcast_in_dim3A_598 : vector<4x32x128xf32> to vector<128x128xf32>
    %slice3A_600 = vector.extract_strided_slice %dot_general3A_412 {offsets = [0, 3328], sizes = [128, 128], strides = [1, 1]} : vector<128x4096xf32> to vector<128x128xf32>
    %mul3A_601 = arith.mulf %reshape3A_599, %slice3A_600 : vector<128x128xf32>
    %add3A_602 = arith.addf %add3A_595, %mul3A_601 : vector<128x128xf32>
    %slice3A_603 = vector.extract_strided_slice %transpose3A_388 {offsets = [0, 27, 0], sizes = [4, 1, 128], strides = [1, 1, 1]} : vector<4x32x128xf32> to vector<4x1x128xf32>
    %broadcast_in_dim3A_604 = vector.shape_cast %slice3A_603 : vector<4x1x128xf32> to vector<4x1x128xf32>
    %broadcast_in_dim3A_605 = vector.broadcast %broadcast_in_dim3A_604 : vector<4x1x128xf32> to vector<4x32x128xf32>
    %reshape3A_606 = vector.shape_cast %broadcast_in_dim3A_605 : vector<4x32x128xf32> to vector<128x128xf32>
    %slice3A_607 = vector.extract_strided_slice %dot_general3A_412 {offsets = [0, 3456], sizes = [128, 128], strides = [1, 1]} : vector<128x4096xf32> to vector<128x128xf32>
    %mul3A_608 = arith.mulf %reshape3A_606, %slice3A_607 : vector<128x128xf32>
    %add3A_609 = arith.addf %add3A_602, %mul3A_608 : vector<128x128xf32>
    %slice3A_610 = vector.extract_strided_slice %transpose3A_388 {offsets = [0, 28, 0], sizes = [4, 1, 128], strides = [1, 1, 1]} : vector<4x32x128xf32> to vector<4x1x128xf32>
    %broadcast_in_dim3A_611 = vector.shape_cast %slice3A_610 : vector<4x1x128xf32> to vector<4x1x128xf32>
    %broadcast_in_dim3A_612 = vector.broadcast %broadcast_in_dim3A_611 : vector<4x1x128xf32> to vector<4x32x128xf32>
    %reshape3A_613 = vector.shape_cast %broadcast_in_dim3A_612 : vector<4x32x128xf32> to vector<128x128xf32>
    %slice3A_614 = vector.extract_strided_slice %dot_general3A_412 {offsets = [0, 3584], sizes = [128, 128], strides = [1, 1]} : vector<128x4096xf32> to vector<128x128xf32>
    %mul3A_615 = arith.mulf %reshape3A_613, %slice3A_614 : vector<128x128xf32>
    %add3A_616 = arith.addf %add3A_609, %mul3A_615 : vector<128x128xf32>
    %slice3A_617 = vector.extract_strided_slice %transpose3A_388 {offsets = [0, 29, 0], sizes = [4, 1, 128], strides = [1, 1, 1]} : vector<4x32x128xf32> to vector<4x1x128xf32>
    %broadcast_in_dim3A_618 = vector.shape_cast %slice3A_617 : vector<4x1x128xf32> to vector<4x1x128xf32>
    %broadcast_in_dim3A_619 = vector.broadcast %broadcast_in_dim3A_618 : vector<4x1x128xf32> to vector<4x32x128xf32>
    %reshape3A_620 = vector.shape_cast %broadcast_in_dim3A_619 : vector<4x32x128xf32> to vector<128x128xf32>
    %slice3A_621 = vector.extract_strided_slice %dot_general3A_412 {offsets = [0, 3712], sizes = [128, 128], strides = [1, 1]} : vector<128x4096xf32> to vector<128x128xf32>
    %mul3A_622 = arith.mulf %reshape3A_620, %slice3A_621 : vector<128x128xf32>
    %add3A_623 = arith.addf %add3A_616, %mul3A_622 : vector<128x128xf32>
    %slice3A_624 = vector.extract_strided_slice %transpose3A_388 {offsets = [0, 30, 0], sizes = [4, 1, 128], strides = [1, 1, 1]} : vector<4x32x128xf32> to vector<4x1x128xf32>
    %broadcast_in_dim3A_625 = vector.shape_cast %slice3A_624 : vector<4x1x128xf32> to vector<4x1x128xf32>
    %broadcast_in_dim3A_626 = vector.broadcast %broadcast_in_dim3A_625 : vector<4x1x128xf32> to vector<4x32x128xf32>
    %reshape3A_627 = vector.shape_cast %broadcast_in_dim3A_626 : vector<4x32x128xf32> to vector<128x128xf32>
    %slice3A_628 = vector.extract_strided_slice %dot_general3A_412 {offsets = [0, 3840], sizes = [128, 128], strides = [1, 1]} : vector<128x4096xf32> to vector<128x128xf32>
    %mul3A_629 = arith.mulf %reshape3A_627, %slice3A_628 : vector<128x128xf32>
    %add3A_630 = arith.addf %add3A_623, %mul3A_629 : vector<128x128xf32>
    %slice3A_631 = vector.extract_strided_slice %transpose3A_388 {offsets = [0, 31, 0], sizes = [4, 1, 128], strides = [1, 1, 1]} : vector<4x32x128xf32> to vector<4x1x128xf32>
    %broadcast_in_dim3A_632 = vector.shape_cast %slice3A_631 : vector<4x1x128xf32> to vector<4x1x128xf32>
    %broadcast_in_dim3A_633 = vector.broadcast %broadcast_in_dim3A_632 : vector<4x1x128xf32> to vector<4x32x128xf32>
    %reshape3A_634 = vector.shape_cast %broadcast_in_dim3A_633 : vector<4x32x128xf32> to vector<128x128xf32>
    %slice3A_635 = vector.extract_strided_slice %dot_general3A_412 {offsets = [0, 3968], sizes = [128, 128], strides = [1, 1]} : vector<128x4096xf32> to vector<128x128xf32>
    %mul3A_636 = arith.mulf %reshape3A_634, %slice3A_635 : vector<128x128xf32>
    %add3A_637 = arith.addf %add3A_630, %mul3A_636 : vector<128x128xf32>
    %swap3A_638 = arith.constant 0 : index
    %swap3A_639 = arith.constant 0 : index
    %swap3A_640 = arith.constant 0 : index
    %swap3A_641 = vector.load %arg8[%swap3A_638, %swap3A_639, %swap3A_640] : memref<1x128x128xf32, #tpu.memory_space<vmem>>, vector<1x128x128xf32>
    %swap3A_642 = vector.shape_cast %swap3A_641 : vector<1x128x128xf32> to vector<128x128xf32>
    %swap3A_643 = vector.shape_cast %add3A_637 : vector<128x128xf32> to vector<1x128x128xf32>
    tpu.vector_store %arg8[%swap3A_638, %swap3A_639, %swap3A_640], %swap3A_643 {strides = array<i32>} : memref<1x128x128xf32, #tpu.memory_space<vmem>>, vector<1x128x128xf32>,
    return
  }
  func.func @transform_0(%arg0: i32, %arg1: i32) -> (i32, i32, i32) {
    %c0_i32 = arith.constant 0 : i32
    %c0_i32_0 = arith.constant 0 : i32
    return %arg0, %c0_i32, %arg1 : i32, i32, i32
  }
  func.func @transform_1(%arg0: i32, %arg1: i32) -> (i32, i32, i32) {
    %c0_i32 = arith.constant 0 : i32
    %c0_i32_0 = arith.constant 0 : i32
    %c0_i32_1 = arith.constant 0 : i32
    return %arg0, %c0_i32, %c0_i32_0 : i32, i32, i32
  }
  func.func @transform_2(%arg0: i32, %arg1: i32) -> (i32, i32, i32) {
    %c0_i32 = arith.constant 0 : i32
    %c0_i32_0 = arith.constant 0 : i32
    return %arg0, %c0_i32, %arg1 : i32, i32, i32
  }
  func.func @transform_3(%arg0: i32, %arg1: i32) -> (i32, i32) {
    %c0_i32 = arith.constant 0 : i32
    %c0_i32_0 = arith.constant 0 : i32
    %c0_i32_1 = arith.constant 0 : i32
    return %c0_i32, %c0_i32_0 : i32, i32
  }
  func.func @transform_4(%arg0: i32, %arg1: i32) -> (i32, i32) {
    %c0_i32 = arith.constant 0 : i32
    %c0_i32_0 = arith.constant 0 : i32
    %c0_i32_1 = arith.constant 0 : i32
    return %c0_i32, %c0_i32_0 : i32, i32
  }
  func.func @transform_5(%arg0: i32, %arg1: i32) -> (i32, i32) {
    %c0_i32 = arith.constant 0 : i32
    %c0_i32_0 = arith.constant 0 : i32
    %c0_i32_1 = arith.constant 0 : i32
    return %c0_i32, %c0_i32_0 : i32, i32
  }
  func.func @transform_6(%arg0: i32, %arg1: i32) -> (i32, i32, i32) {
    %c0_i32 = arith.constant 0 : i32
    %c0_i32_0 = arith.constant 0 : i32
    return %arg0, %c0_i32, %arg1 : i32, i32, i32
  }
  func.func @transform_7(%arg0: i32, %arg1: i32) -> (i32, i32, i32) {
    %c0_i32 = arith.constant 0 : i32
    %c0_i32_0 = arith.constant 0 : i32
    return %arg0, %c0_i32, %arg1 : i32, i32, i32
  }
}

</mosaic_0001>

<sc_bundles>
// kernel: gather_offload_async_start.1
scs
__scs_entry_jumppad:
0x0: {  	(pc) =	sbr.rel $0x88, $3  }
0x1: {  	(tag) =	ssettag $0x0;
	lr =	simm.s32 $0x1  }
0x2: {  	[smem:$0x3F9D] =	sst lr;
	_ =	strace $0xD0000000  }
0x3: {  	_ = 	snop  }
0x4: {  	_ = 	snop  }
0x5: {  	_ = 	snop  }
0x6: {  	_ = 	snop  }
0x7: {  	_ = 	snop  }
__scs_overlays_trampoline_lowered:
0x8: {  	[smem:$0x3FAC] =	sst s0  }
0x9: {  	[smem:$0x3FAD] =	sst s1  }
0xa: {  	[smem:$0x3FAE] =	sst s2  }
0xb: {  	[smem:$0x3FAF] =	sst s3  }
0xc: {  	[smem:$0x3FB0] =	sst s4  }
0xd: {  	[smem:$0x3FB1] =	sst s5  }
0xe: {  	[smem:$0x3FB2] =	sst s6  }
0xf: {  	[smem:$0x3FB3] =	sst s7  }
0x10: {  	[smem:$0x3FB4] =	sst s8  }
0x11: {  	[smem:$0x3FB5] =	sst s9;
	s0 =	simm.s32 @!p0 $0x0  }
0x12: {  	s1 =	sld [smem:$0x3F9B];
	s0 =	simm.s32 @p0 $0x1  }
0x13: {  	[smem:$0x3FB6] =	sst s0;
	s0 =	simm.s32 @!p1 $0x0  }
0x14: {  	s2 =	sld [smem:$0x3F9A];
	s0 =	simm.s32 @p1 $0x1  }
0x15: {  	[smem:$0x3FB7] =	sst s0;
	s0 =	simm.s32 @!p2 $0x0  }
0x16: {  	s3 =	sld [smem:$0x3FDB];
	s0 =	simm.s32 @p2 $0x1  }
0x17: {  	s4 =	simm.s32 $0x1BF5;
	[smem:$0x3FB9] =	sst s0  }
0x18: {  	s0 =	sld [smem:$0x3F9C];
	_ =	swait.ge [sflag:s4], $0x0  }
0x19: {  	s7 =	sld [smem:$0x3F9D]  }
0x1a: {  	s8 =	sadd.s32 $0xFFFFE003, lr  }
0x1b: {  	s9 =	sadd.s32 $0xFFFFFEF7, lr;
	s5 =	simm.s32 $0xFFFFFFFF;
	p2 =	slt.u32 s8, $0xFFFFF086  }
0x1c: {  	p1 =	slt.u32 s9, $0xF7A;
	s5 =	simm.s32 @!p2 $0x0  }
0x1d: {  	s5 =	simm.s32 @p1 $0x1;
	p0 =	seq.s32 s7, s2  }
0x1e: {  	s7 =	smul.u32 @!p0 $0xF7A, s2;
	p2 =	seq.s32 @!p0 s5, $0x0  }
0x1f: {  	s9 =	smul.u32 $0xF7A, s1;
	s8 =	simm.s32 @!p0 $0x1BF5;
	p2 =	por !p2, p0  }
0x20: {  	[sflag:s8] =	ssyncset.s32 @!p0 $0xFFFFF086;
	s6 =	sadd.s32 @!p0 s3, s7;
	s7 =	simm.s32 @!p0 $0x108  }
0x21: {  	s3 =	sadd.s32 s3, s9;
	s6 =	sadd.s32 @!p0 $0x88, s6;
	s7 =	simm.s32 @p2 $0x1082  }
0x22: {  	[simem:s7], [sflag:s8] =	dma.local @!p0 [hbm:s6], $0xF7A  }
0x23: {  	s9 =	sor.u32 $0xD0000000, s2;
	s6 =	simm.s32 $0x108;
	_ =	swait.ge @!p0 [sflag:s8], $0x0  }
0x24: {  	s3 =	sadd.s32 $0x88, s3;
	s6 =	simm.s32 @!p1 $0x1082;
	[sflag:s4] =	ssyncset.s32 $0xFFFFF086  }
0x25: {  	[simem:s6], [sflag:s4] =	dma.local [hbm:s3], $0xF7A  }
0x26: {  	[smem:$0x3F9D] =	sst s1;
	(tag) =	ssettag s2;
	_ =	strace s9  }
0x27: {  	s1 =	sld [smem:$0x3FAD]  }
0x28: {  	s2 =	sld [smem:$0x3FAE]  }
0x29: {  	s4 =	sld [smem:$0x3FB0]  }
0x2a: {  	p0 =	seq.s32 s5, $0x0;
	s5 =	sld [smem:$0x3FB1]  }
0x2b: {  	s6 =	sld [smem:$0x3FB2]  }
0x2c: {  	s7 =	sld [smem:$0x3FB3]  }
0x2d: {  	s3 =	simm.s32 $0x108;
	s8 =	sld [smem:$0x3FB4]  }
0x2e: {  	s3 =	simm.s32 @!p0 $0x1082;
	s9 =	sld [smem:$0x3FB5]  }
0x2f: {  	lr =	sadd.s32 s0, s3;
	s0 =	sld [smem:$0x3FAC]  }
0x30: {  	s3 =	sld [smem:$0x3FAF]  }
0x31: {  	[smem:$0x3FB8] =	sst s10  }
0x32: {  	s10 =	sld [smem:$0x3FB6];
	_ =	sdelay $0x3  }
0x33: {  	p0 =	seq.s32 s10, $0x1;
	s10 =	sld [smem:$0x3FB8];
	_ =	sdelay $0x3  }
0x34: {  	[smem:$0x3FB8] =	sst s10  }
0x35: {  	s10 =	sld [smem:$0x3FB7];
	_ =	sdelay $0x3  }
0x36: {  	p1 =	seq.s32 s10, $0x1;
	s10 =	sld [smem:$0x3FB8];
	_ =	sdelay $0x3  }
0x37: {  	[smem:$0x3FB8] =	sst s10  }
0x38: {  	s10 =	sld [smem:$0x3FB9]  }
0x39: {  	_ = 	snop;
	(pc) =	sbr.ind lr, $3  }
0x3a: {  	_ = 	snop  }
0x3b: {  	_ = 	snop  }
0x3c: {  	p2 =	seq.s32 s10, $0x1;
	s10 =	sld [smem:$0x3FB8]  }
0x3d: {  	_ =	shalt  }
0x3e: {  	_ =	shalt  }
0x3f: {  	_ =	shalt  }
0x40: {  	_ =	shalt  }
0x41: {  	_ =	shalt  }
0x42: {  	_ =	shalt  }
0x43: {  	_ =	shalt  }
0x44: {  	_ =	shalt  }
0x45: {  	_ =	shalt  }
0x46: {  	_ =	shalt  }
0x47: {  	_ =	shalt  }
0x48: {  	_ =	shalt  }
0x49: {  	_ =	shalt  }
0x4a: {  	_ =	shalt  }
0x4b: {  	_ =	shalt  }
0x4c: {  	_ =	shalt  }
0x4d: {  	_ =	shalt  }
0x4e: {  	_ =	shalt  }
0x4f: {  	_ =	shalt  }
0x50: {  	_ =	shalt  }
0x51: {  	_ =	shalt  }
0x52: {  	_ =	shalt  }
0x53: {  	_ =	shalt  }
0x54: {  	_ =	shalt  }
0x55: {  	_ =	shalt  }
0x56: {  	_ =	shalt  }
0x57: {  	_ =	shalt  }
0x58: {  	_ =	shalt  }
0x59: {  	_ =	shalt  }
0x5a: {  	_ =	shalt  }
0x5b: {  	_ =	shalt  }
0x5c: {  	_ =	shalt  }
0x5d: {  	_ =	shalt  }
0x5e: {  	_ =	shalt  }
0x5f: {  	_ =	shalt  }
0x60: {  	_ =	shalt  }
0x61: {  	_ =	shalt  }
0x62: {  	_ =	shalt  }
0x63: {  	_ =	shalt  }
0x64: {  	_ =	shalt  }
0x65: {  	_ =	shalt  }
0x66: {  	_ =	shalt  }
0x67: {  	_ =	shalt  }
0x68: {  	_ =	shalt  }
0x69: {  	_ =	shalt  }
0x6a: {  	_ =	shalt  }
0x6b: {  	_ =	shalt  }
0x6c: {  	_ =	shalt  }
0x6d: {  	_ =	shalt  }
0x6e: {  	_ =	shalt  }
0x6f: {  	_ =	shalt  }
0x70: {  	_ =	shalt  }
0x71: {  	_ =	shalt  }
0x72: {  	_ =	shalt  }
0x73: {  	_ =	shalt  }
0x74: {  	_ =	shalt  }
0x75: {  	_ =	shalt  }
0x76: {  	_ =	shalt  }
0x77: {  	_ =	shalt  }
0x78: {  	_ =	shalt  }
0x79: {  	_ =	shalt  }
0x7a: {  	_ =	shalt  }
0x7b: {  	_ =	shalt  }
0x7c: {  	_ =	shalt  }
0x7d: {  	_ =	shalt  }
0x7e: {  	_ =	shalt  }
0x7f: {  	_ =	shalt  }
0x80: {  	_ =	shalt  }
0x81: {  	_ =	shalt  }
0x82: {  	_ =	shalt  }
0x83: {  	_ =	shalt  }
0x84: {  	_ =	shalt  }
0x85: {  	_ =	shalt  }
0x86: {  	_ =	shalt  }
0x87: {  	_ =	shalt  }
.Lfunc_end0:
.L_simem_size_0:
called_computation.1_lowered:
.L_overlay_start_0:
0x88: {  	s2 =	sld [smem:$0x3FD9]  }
0x89: {  	s3 =	sld [smem:$0x3FFE];
	_ =	sdelay $0x1  }
0x8a: {  	s1 =	srdreg.scid  }
0x8b: {  	s0 =	sand.u32 $0x1, s1  }
0x8c: {  	s16 =	sshll.u32 s0, $0xA;
	s2 =	sadd.s32 s3, s2  }
0x8d: {  	s2 =	sadd.s32 s2, s16  }
0x8e: {  	[smem:$0x3FC4] =	sst s2  }
0x8f: {  	_ = 	snop  }
0x90: {  	(tm) =	ssettm $0x1  }
0x91: {  	s17 =	sld [smem:$0x3FFB];
	_ =	sdelay $0x3  }
0x92: {  	_ =	strace s17  }
0x93: {  	s2 =	sld [smem:$0x3FFC];
	_ =	sdelay $0x3  }
0x94: {  	_ =	strace s2  }
0x95: {  	s2 =	sld [smem:$0x3FFD];
	_ =	sdelay $0x3  }
0x96: {  	_ =	strace s2  }
0x97: {  	_ =	strace $0x8FFFFFFF  }
0x98: {  	s18 =	sld [smem:$0x3FDB];
	_ =	sdelay $0x1  }
0x99: {  	s19 =	simm.s32 $_scs_section_size  }
0x9a: {  	s4 =	simm.s32 $_size__tile_overlayer_lowered;
	s5 =	simm.s32 $_tile_overlayer_lowered  }
0x9b: {  	s22 =	simm.s32 $0x1BFF;
	s21 =	sshll.u32 s5, $0x1;
	s2 =	sadd.s32 s19, s18  }
0x9c: {  	s6 =	simm.s32 $0x0;
	s20 =	sshll.u32 s4, $0x1;
	s4 =	sadd.s32 s21, s2  }
0x9d: {  	[timem:s6], [sflag:s22] =	dma.local [hbm:s4], s20  }
0x9e: {  	_ =	swait.ge [sflag:s22], s20  }
0x9f: {  	s3 =	ssub.s32 $0x0, s20;
	[sflag:s22] =	ssyncset.done $0x0  }
0xa0: {  	[sflag:s22] =	ssyncadd.s32 s3;
	_ =	sdelay $0x1  }
0xa1: {  	s23 =	simm.s32 $0x1B8B  }
0xa2: {  	_ =	swait.ge [sflag:s23], $0x1  }
0xa3: {  	[sflag:s23] =	ssyncset.done $0x0  }
0xa4: {  	s25 =	simm.s32 $0x1B8E;
	s24 =	sld [smem:$0x3FFE];
	[sflag:s23] =	ssyncadd.s32 $0xFFFFFFFF  }
0xa5: {  	s26 =	simm.s32 $execute0_lowered;
	[smem:$0x3FD2] =	sst s25  }
0xa6: {  	s4 =	sshll.u32 s26, $0x1;
	_ =	strace $0x80000046;
	[dreg:$0x1] =	wrdreg $0xFFFFFFFF  }
0xa7: {  	s28 =	simm.s32 $_size_execute0_lowered;
	s2 =	sadd.s32 s2, s4;
	[dreg:$0x0] =	wrdreg $0x0  }
0xa8: {  	s4 =	sshll.u32 s28, $0x1;
	[dreg:$0x2] =	wrdreg s2  }
0xa9: {  	[dreg:$0x3] =	wrdreg s4  }
0xaa: {  	[dreg:$0x4] =	wrdreg $0xC0  }
0xab: {  	_ =	task [dreg:s6], $0x5FFFF  }
0xac: {  	[dreg:$0x1] =	wrdreg $0xFFFFFFFF  }
0xad: {  	[dreg:$0x0] =	wrdreg $0x60  }
0xae: {  	[dreg:$0x2] =	wrdreg s24  }
0xaf: {  	[dreg:$0x3] =	wrdreg $0x9  }
0xb0: {  	_ =	task.clear_ibuf [dreg:s6], $0x4FFFF;
	_ =	strace $0x90000046  }
0xb1: {  	s29 =	simm.s32 $0x9;
	_ =	strace $0x80000048  }
0xb2: {  	_ =	swait.ge [sflag:s29], $0x1  }
0xb3: {  	[sflag:s29] =	ssyncadd.s32 $0xFFFFFFFF  }
0xb4: {  	_ =	strace $0x90000048  }
0xb5: {  	_ =	sfence  }
0xb6: {  	s30 =	sld [smem:$0x0];
	_ =	sdelay $0x2  }
0xb7: {  	s31 =	sshll.u32 s1, $0xD;
	s1 =	sshrl.u32 s1, $0x2  }
0xb8: {  	s3 =	sand.u32 $0x4000, s31;
	s1 =	sadd.s32 s1, s30  }
0xb9: {  	s0 =	sor.u32 s3, s0;
	s1 =	sshll.u32 s1, $0x11  }
0xba: {  	s0 =	sor.u32 s1, s0  }
0xbb: {  	s0 =	sadd.s32 $0x8F2B, s0  }
0xbc: {  	[sflag:s0] =	ssyncadd.remote.s32 $0x1  }
0xbd: {  	_ =	sfence.sel $0xFFFF  }
0xbe: {  	[dreg:$0x0] =	wrdreg $0xFFFFFFFF;
	(pc) =	sbr.abs _section_cstart, $3  }
0xbf: {  	[dreg:$0x1] =	wrdreg $0xFFFFFFFF  }
0xc0: {  	_ =	task.clear_ibuf [dreg:s6], $0x2FFFF;
	_ =	strace $0x9FFFFFFF  }
0xc1: {  	(tm) =	ssettm $0x7FFFFFFF  }
tec
execute0_lowered:
.L_overlay_start_1:
0x0: {  	(tag) =	ssettag $0x1  }
0x1: {  	s1 =	srdreg.scid  }
0x2: {  	s0 =	stileid.u32;
	s2 =	rddreg [dreg:$0x0];
	s6 =	simm.s32 $0x1  }
0x3: {  	s9 =	simm.s32 $0x1;
	s10 =	simm.s32 $0x3;
	s1 =	sshll.u32 s1, $0xD  }
0x4: {  	s13 =	simm.s32 $0x0;
	s3 =	sshll.u32 s0, $0xE;
	s4 =	sand.u32 $0x2000, s1  }
0x5: {  	s12 =	simm.s32 $0x0;
	s5 =	sadd.s32 $0x31400, s2;
	s3 =	sor.u32 s3, s4  }
0x6: {  	s1 =	rddreg [dreg:$0x1];
	_ =	strace $0x80000047;
	s8 =	ssub.s32 $0x80000, s3  }
.Ltmp0:
0x7: {  	s4 =	sadd.s32 $0x20C00, s2;
	s7 =	sand.u32 $0x3E000, s8;
	(pc) =	sbr.rel .LBB2_1-.Ltmp0, $4  }
0x8: {  	[sflag:s6] =	ssyncpa.u1 $0x0;
	s11 =	smov.u32 s3;
	p0 =	sne.s32 s7, $0x0  }
0x9: {  	s8 =	sshrl.u32 s8, $0x12;
	s7 =	simm.s32 $0x2;
	s9 =	simm.s32 @!p0 $0x0  }
0xa: {  	[sflag:s7] =	ssyncpa.u1 $0x0;
	p0 =	por $0x0, $0x0;
	s8 =	sadd.s32 s9, s8  }
0xb: {  	vm0 =	vmmov $0xffff;
	[sflag:s10] =	ssyncpa.u1 $0x0;
	s10 =	simm.s32 $0x0;
	s9 =	sadd.s32 $0x1, s8  }
.LBB2_4:
0xc: {  	v3 =	vand.u32 $0x1F, v3;
	v4 =	vshll.u32 v0, $0x12;
	v62 =	vshll.u32 v0, $0xE  }
0xd: {  	v2 =	vand.u32 $0x7FF, v2;
	v4 =	vand.u32 $0xC0000, v4;
	v0 =	vand.u32 $0x30000, v62  }
0xe: {  	v3 =	vsel vm1, $0xFFFFFFFF, v3;
	v2 =	vsel vm1, $0xFFFFFFFF, v2;
	v0 =	vor.u32 v0, v4  }
0xf: {  	v63 =	vand.u32 $0x7F, v2;
	v5 =	vshll.u32 v3, $0xB;
	v0 =	vsel vm1, $0xFFFB0000, v0  }
0x10: {  	v2 =	vshll.u32 v2, $0x3;
	v5 =	vand.u32 $0xFFFFC000, v5;
	v0 =	vor.u32 v0, v63  }
0x11: {  	v3 =	vshll.u32 v3, $0x7;
	v2 =	vand.u32 $0xFFFFFC00, v2;
	v0 =	vadd.s32 v5, v0  }
0x12: {  	v3 =	vand.u32 $0x380, v3;
	v0 =	vadd.s32 v2, v0  }
0x13: {  	v0 =	vor.u32 v3, v0;
	_ =	sdelay $0x1  }
0x14: {  	(ifvalue) =	ssetifvalue $0x7FFFFFFF;
	s14 =	sadd.s32 $0x10, s14  }
0x15: {  	[tilespmem:s14], [sflag:$0x1] =	stream.indirect_vreg.gather [hbm4b:s2+s10], $0x1, v1, vm0, $0x4038;
	[tilespmem:$0x8000] =	vst v63  }
0x16: {  	(ifvalue) =	ssetifvalue $0x7FFFFFFF;
	s14 =	sadd.s32 $0x10, s14  }
0x17: {  	[tilespmem:s14], [sflag:$0x1] =	stream.indirect_vreg.gather [hbm4b:s2+s10], $0x1, v0, vm0, $0x4038;
	[tilespmem:$0x8000] =	vst v63  }
0x18: {  	_ =	swait.ge [sflag:s6], $0x2000  }
0x19: {  	s30 =	sshrl.u32 s13, $0x3;
	[sflag:s6] =	ssyncset.done $0x0  }
0x1a: {  	s31 =	sand.u32 $0x7, s13;
	s14 =	sadd.s32 s5, s30;
	[sflag:s6] =	ssyncadd.s32 $0xFFFFE000  }
0x1b: {  	[hbm4b:s14+s31] =	stream.linear.scatter [tilespmem:s15], [sflag:$0x3], $0x2000, $0x38;
	[tilespmem:$0x8000] =	vst v63  }
.LBB2_5:
0x1c: {  	s15 =	sadd.s32 $0x40000, s11  }
0x1d: {  	p2 =	sgt.s32 s15, $0x7FFFF  }
0x1e: {  	s15 =	smov.u32 @p2 s3;
	p2 =	sne.s32 s12, s9  }
.Ltmp1:
0x1f: {  	p1 =	slt.u32 s12, $0x2;
	(pc) =	sbr.rel @!p2 .LBB2_6-.Ltmp1, $4  }
0x20: {  	s14 =	simm.s32 @!p1 $0x3  }
0x21: {  	s16 =	sadd.s32 $0x1, s12;
	_ =	swait.ge @!p1 [sflag:s14], $0x2000  }
0x22: {  	s13 =	smov.u32 s11;
	p0 =	por !p0, !p0;
	[sflag:s14] =	ssyncset.done @!p1 $0x0  }
0x23: {  	s12 =	smov.u32 s16;
	s11 =	smov.u32 s15;
	[sflag:s14] =	ssyncadd.s32 @!p1 $0xFFFFE000  }
.LBB2_1:
0x24: {  	p1 =	sge.u32 s12, s8  }
0x25: {  	s14 =	sxor.u32 @!p1 $0xFFFFFFFF, s12  }
0x26: {  	s31 =	sadd.s32 $0xFFFFFFFF, s12;
	s15 =	sshrl.u32 @!p1 s11, $0x3;
	s14 =	sshll.u32 @!p1 s14, $0xD  }
0x27: {  	s16 =	sand.u32 @!p1 $0x7, s11;
	s15 =	sadd.s32 @!p1 s4, s15;
	s14 =	sand.u32 @!p1 $0x2000, s14  }
0x28: {  	[tilespmem:s14], [sflag:$0x2] =	stream.linear.gather @!p1 [hbm4b:s15+s16], $0x2000, $0x38;
	[tilespmem:$0x8000] =	vst v63  }
0x29: {  	p1 =	sge.u32 s31, s8  }
.Ltmp2:
0x2a: {  	_ = 	snop;
	(pc) =	sbr.rel @p1 .LBB2_5-.Ltmp2, $1  }
0x2b: {  	_ =	sdelay $0x3  }
0x2c: {  	s14 =	simm.s32 $0x1  }
0x2d: {  	_ =	swait.ge [sflag:s7], $0x2000;
	s14 =	simm.s32 @!p0 $0x0  }
0x2e: {  	[sflag:s7] =	ssyncset.done $0x0;
	s14 =	sshll.u32 s14, $0xD  }
0x2f: {  	[sflag:s7] =	ssyncadd.s32 $0xFFFFE000;
	(ifvalue) =	ssetifvalue $0x7FFFFFFF;
	v0 =	vld.msk [tilespmem:s14+$0x0 ss:$0x1], $0xffff;
	_ =	sdelay $0x3  }
0x30: {  	s15 =	sadd.s32 $0x10, s14  }
0x31: {  	v4 =	vld.msk [tilespmem:s15+$0x0 ss:$0x1], $0xffff;
	vm1 =	veq.s32 v0, $0x80000000;
	v1 =	vshrl.u32 v0, $0x4;
	v2 =	vshrl.u32 v0, $0x9  }
0x32: {  	v3 =	vshll.u32 v0, $0x12;
	v0 =	vshll.u32 v0, $0xE;
	v1 =	vand.u32 $0x1F, v1  }
0x33: {  	v2 =	vand.u32 $0x7FF, v2;
	v3 =	vand.u32 $0xC0000, v3;
	v0 =	vand.u32 $0x30000, v0  }
0x34: {  	v1 =	vsel vm1, $0xFFFFFFFF, v1;
	v2 =	vsel vm1, $0xFFFFFFFF, v2;
	v0 =	vor.u32 v0, v3  }
0x35: {  	v3 =	vand.u32 $0x7F, v2;
	v0 =	vsel vm1, $0xFFFB0000, v0;
	v5 =	vshll.u32 v1, $0xB  }
0x36: {  	v2 =	vshll.u32 v2, $0x3;
	v1 =	vshll.u32 v1, $0x7;
	vm1 =	veq.s32 v4, $0x80000000  }
0x37: {  	v5 =	vand.u32 $0xFFFFC000, v5;
	v0 =	vor.u32 v0, v3;
	v2 =	vand.u32 $0xFFFFFC00, v2  }
0x38: {  	v1 =	vand.u32 $0x380, v1;
	v3 =	vshrl.u32 v4, $0x9;
	v0 =	vadd.s32 v5, v0  }
0x39: {  	v5 =	vshll.u32 v4, $0x12;
	v3 =	vand.u32 $0x7FF, v3;
	v0 =	vadd.s32 v2, v0  }
0x3a: {  	s17 =	sadd.s32 $0x10, s15;
	v2 =	vshrl.u32 v4, $0x4;
	v4 =	vshll.u32 v4, $0xE;
	v1 =	vor.u32 v1, v0  }
0x3b: {  	v5 =	vand.u32 $0xC0000, v5;
	v2 =	vand.u32 $0x1F, v2;
	v0 =	vld.msk [tilespmem:s17+$0x0 ss:$0x1], $0xffff;
	v4 =	vand.u32 $0x30000, v4  }
0x3c: {  	v3 =	vsel vm1, $0xFFFFFFFF, v3;
	v2 =	vsel vm1, $0xFFFFFFFF, v2;
	v4 =	vor.u32 v4, v5  }
0x3d: {  	v5 =	vand.u32 $0x7F, v3;
	v4 =	vsel vm1, $0xFFFB0000, v4;
	v6 =	vshll.u32 v2, $0xB  }
0x3e: {  	s31 =	sshll.u32 s12, $0xD;
	s14 =	sor.u32 $0x4000, s14;
	(ifvalue) =	ssetifvalue $0x7FFFFFFF;
	v3 =	vshll.u32 v3, $0x3;
	v6 =	vand.u32 $0xFFFFC000, v6;
	v4 =	vor.u32 v4, v5  }
0x3f: {  	v2 =	vshll.u32 v2, $0x7;
	[tilespmem:s14], [sflag:$0x1] =	stream.indirect_vreg.gather [hbm4b:s2+s10], $0x1, v1, vm0, $0x4038;
	v1 =	vand.u32 $0xFFFFFC00, v3;
	v3 =	vadd.s32 v6, v4;
	[tilespmem:$0x8000] =	vst v63  }
0x40: {  	s15 =	sand.u32 $0x2000, s31;
	vm1 =	veq.s32 v0, $0x80000000;
	v4 =	vand.u32 $0x380, v2;
	v1 =	vadd.s32 v1, v3  }
0x41: {  	s16 =	simm.s32 $0x20;
	s15 =	sor.u32 $0x4000, s15;
	s17 =	sadd.s32 $0x10, s17;
	v2 =	vshrl.u32 v0, $0x9;
	v3 =	vshrl.u32 v0, $0x4;
	v1 =	vor.u32 v4, v1  }
.LBB2_3:
0x42: {  	v3 =	vand.u32 $0x1F, v3;
	v4 =	vshll.u32 v0, $0x12;
	v5 =	vshll.u32 v0, $0xE;
	v0 =	vld.msk [tilespmem:s17+$0x0 ss:$0x1], $0xffff  }
0x43: {  	v2 =	vand.u32 $0x7FF, v2;
	s16 =	sadd.s32 $0x10, s16;
	v4 =	vand.u32 $0xC0000, v4;
	v5 =	vand.u32 $0x30000, v5  }
0x44: {  	v3 =	vsel vm1, $0xFFFFFFFF, v3;
	v2 =	vsel vm1, $0xFFFFFFFF, v2;
	p1 =	slt.u32 s16, $0x1FF0;
	v4 =	vor.u32 v5, v4  }
.Ltmp3:
0x45: {  	s14 =	sadd.s32 $0x10, s14;
	v5 =	vand.u32 $0x7F, v2;
	v6 =	vshll.u32 v3, $0xB;
	v4 =	vsel vm1, $0xFFFB0000, v4;
	(ifvalue) =	ssetifvalue $0x7FFFFFFF;
	(pc) =	sbr.rel @p1 .LBB2_3-.Ltmp3, $4  }
0x46: {  	v2 =	vshll.u32 v2, $0x3;
	v6 =	vand.u32 $0xFFFFC000, v6;
	v4 =	vor.u32 v4, v5;
	[tilespmem:s14], [sflag:$0x1] =	stream.indirect_vreg.gather [hbm4b:s2+s10], $0x1, v1, vm0, $0x4038;
	[tilespmem:$0x8000] =	vst v63  }
0x47: {  	v1 =	vand.u32 $0xFFFFFC00, v2;
	v2 =	vshll.u32 v3, $0x7;
	v3 =	vadd.s32 v6, v4  }
0x48: {  	vm1 =	veq.s32 v0, $0x80000000;
	v4 =	vand.u32 $0x380, v2;
	v1 =	vadd.s32 v1, v3  }
0x49: {  	s17 =	sadd.s32 $0x10, s17;
	v2 =	vshrl.u32 v0, $0x9;
	v3 =	vshrl.u32 v0, $0x4;
	v1 =	vor.u32 v4, v1  }
.Ltmp4:
0x4a: {  	_ = 	snop;
	(pc) =	sbr.rel .LBB2_4-.Ltmp4, $1  }
0x4b: {  	_ =	sdelay $0x3  }
.LBB2_6:
0x4c: {  	_ =	sfence.sel $0x180000  }
0x4d: {  	s2 =	simm.s32 $0x2;
	[bflag:$0x0] =	sbarrier.arrive $0xFFFF  }
0x4e: {  	s30 =	simm.s32 $0x3;
	[sflag:s2] =	ssyncpa.u1 $0x1  }
0x4f: {  	s31 =	simm.s32 $0x1;
	[sflag:s30] =	ssyncpa.u1 $0x1  }
0x50: {  	[sflag:s31] =	ssyncpa.u1 $0x1  }
0x51: {  	p0 =	sne.s32 s0, $0x0;
	_ =	strace $0x90000047  }
0x52: {  	s0 =	sadd.s32 @!p0 $0x100000, s1;
	[bflag:$0x2] =	sbarrier.arrive $0xFFFF  }
0x53: {  	[sflag:s0] =	ssyncadd.tile.s32 @!p0 $0x1;
	_ =	shalt  }
.Lfunc_end2:
_tile_overlayer_lowered:
.L_overlay_start_2:
0x54: {  	(tag) =	ssettag $0x2  }
0x55: {  	s0 =	rddreg [dreg:$0x0];
	s2 =	stileid.u32  }
0x56: {  	s1 =	rddreg [dreg:$0x1];
	p0 =	sne.s32 s2, $0x0  }
0x57: {  	s3 =	rddreg [dreg:$0x2];
	[bflag:$0x3] =	sbarrier.arrive $0xFFFF;
	s2 =	simm.s32 @!p0 $0x1C01  }
0x58: {  	[timem:s3], [sflag:s2] =	dma.local @!p0 [hbm:s0], s1  }
0x59: {  	s0 =	simm.s32 @!p0 $0x1  }
0x5a: {  	_ =	swait.ge @!p0 [sflag:s0], s1  }
0x5b: {  	s1 =	ssub.s32 @!p0 $0x0, s1;
	[sflag:s0] =	ssyncset.done @!p0 $0x0  }
0x5c: {  	[sflag:s0] =	ssyncadd.s32 @!p0 s1  }
0x5d: {  	[bflag:$0x3] =	sbarrier.arrive $0xFFFF  }
0x5e: {  	_ =	shalt  }

// kernel: gather_offload_async_start
scs
__scs_entry_jumppad:
0x0: {  	(pc) =	sbr.rel $0x88, $3  }
0x1: {  	(tag) =	ssettag $0x0;
	lr =	simm.s32 $0x1  }
0x2: {  	[smem:$0x3F9D] =	sst lr;
	_ =	strace $0xD0000000  }
0x3: {  	_ = 	snop  }
0x4: {  	_ = 	snop  }
0x5: {  	_ = 	snop  }
0x6: {  	_ = 	snop  }
0x7: {  	_ = 	snop  }
__scs_overlays_trampoline_lowered:
0x8: {  	[smem:$0x3FAC] =	sst s0  }
0x9: {  	[smem:$0x3FAD] =	sst s1  }
0xa: {  	[smem:$0x3FAE] =	sst s2  }
0xb: {  	[smem:$0x3FAF] =	sst s3  }
0xc: {  	[smem:$0x3FB0] =	sst s4  }
0xd: {  	[smem:$0x3FB1] =	sst s5  }
0xe: {  	[smem:$0x3FB2] =	sst s6  }
0xf: {  	[smem:$0x3FB3] =	sst s7  }
0x10: {  	[smem:$0x3FB4] =	sst s8  }
0x11: {  	[smem:$0x3FB5] =	sst s9;
	s0 =	simm.s32 @!p0 $0x0  }
0x12: {  	s1 =	sld [smem:$0x3F9B];
	s0 =	simm.s32 @p0 $0x1  }
0x13: {  	[smem:$0x3FB6] =	sst s0;
	s0 =	simm.s32 @!p1 $0x0  }
0x14: {  	s2 =	sld [smem:$0x3F9A];
	s0 =	simm.s32 @p1 $0x1  }
0x15: {  	[smem:$0x3FB7] =	sst s0;
	s0 =	simm.s32 @!p2 $0x0  }
0x16: {  	s3 =	sld [smem:$0x3FDB];
	s0 =	simm.s32 @p2 $0x1  }
0x17: {  	s4 =	simm.s32 $0x1BF5;
	[smem:$0x3FB9] =	sst s0  }
0x18: {  	s0 =	sld [smem:$0x3F9C];
	_ =	swait.ge [sflag:s4], $0x0  }
0x19: {  	s7 =	sld [smem:$0x3F9D]  }
0x1a: {  	s8 =	sadd.s32 $0xFFFFE003, lr  }
0x1b: {  	s9 =	sadd.s32 $0xFFFFFEF7, lr;
	s5 =	simm.s32 $0xFFFFFFFF;
	p2 =	slt.u32 s8, $0xFFFFF086  }
0x1c: {  	p1 =	slt.u32 s9, $0xF7A;
	s5 =	simm.s32 @!p2 $0x0  }
0x1d: {  	s5 =	simm.s32 @p1 $0x1;
	p0 =	seq.s32 s7, s2  }
0x1e: {  	s7 =	smul.u32 @!p0 $0xF7A, s2;
	p2 =	seq.s32 @!p0 s5, $0x0  }
0x1f: {  	s9 =	smul.u32 $0xF7A, s1;
	s8 =	simm.s32 @!p0 $0x1BF5;
	p2 =	por !p2, p0  }
0x20: {  	[sflag:s8] =	ssyncset.s32 @!p0 $0xFFFFF086;
	s6 =	sadd.s32 @!p0 s3, s7;
	s7 =	simm.s32 @!p0 $0x108  }
0x21: {  	s3 =	sadd.s32 s3, s9;
	s6 =	sadd.s32 @!p0 $0x88, s6;
	s7 =	simm.s32 @p2 $0x1082  }
0x22: {  	[simem:s7], [sflag:s8] =	dma.local @!p0 [hbm:s6], $0xF7A  }
0x23: {  	s9 =	sor.u32 $0xD0000000, s2;
	s6 =	simm.s32 $0x108;
	_ =	swait.ge @!p0 [sflag:s8], $0x0  }
0x24: {  	s3 =	sadd.s32 $0x88, s3;
	s6 =	simm.s32 @!p1 $0x1082;
	[sflag:s4] =	ssyncset.s32 $0xFFFFF086  }
0x25: {  	[simem:s6], [sflag:s4] =	dma.local [hbm:s3], $0xF7A  }
0x26: {  	[smem:$0x3F9D] =	sst s1;
	(tag) =	ssettag s2;
	_ =	strace s9  }
0x27: {  	s1 =	sld [smem:$0x3FAD]  }
0x28: {  	s2 =	sld [smem:$0x3FAE]  }
0x29: {  	s4 =	sld [smem:$0x3FB0]  }
0x2a: {  	p0 =	seq.s32 s5, $0x0;
	s5 =	sld [smem:$0x3FB1]  }
0x2b: {  	s6 =	sld [smem:$0x3FB2]  }
0x2c: {  	s7 =	sld [smem:$0x3FB3]  }
0x2d: {  	s3 =	simm.s32 $0x108;
	s8 =	sld [smem:$0x3FB4]  }
0x2e: {  	s3 =	simm.s32 @!p0 $0x1082;
	s9 =	sld [smem:$0x3FB5]  }
0x2f: {  	lr =	sadd.s32 s0, s3;
	s0 =	sld [smem:$0x3FAC]  }
0x30: {  	s3 =	sld [smem:$0x3FAF]  }
0x31: {  	[smem:$0x3FB8] =	sst s10  }
0x32: {  	s10 =	sld [smem:$0x3FB6];
	_ =	sdelay $0x3  }
0x33: {  	p0 =	seq.s32 s10, $0x1;
	s10 =	sld [smem:$0x3FB8];
	_ =	sdelay $0x3  }
0x34: {  	[smem:$0x3FB8] =	sst s10  }
0x35: {  	s10 =	sld [smem:$0x3FB7];
	_ =	sdelay $0x3  }
0x36: {  	p1 =	seq.s32 s10, $0x1;
	s10 =	sld [smem:$0x3FB8];
	_ =	sdelay $0x3  }
0x37: {  	[smem:$0x3FB8] =	sst s10  }
0x38: {  	s10 =	sld [smem:$0x3FB9]  }
0x39: {  	_ = 	snop;
	(pc) =	sbr.ind lr, $3  }
0x3a: {  	_ = 	snop  }
0x3b: {  	_ = 	snop  }
0x3c: {  	p2 =	seq.s32 s10, $0x1;
	s10 =	sld [smem:$0x3FB8]  }
0x3d: {  	_ =	shalt  }
0x3e: {  	_ =	shalt  }
0x3f: {  	_ =	shalt  }
0x40: {  	_ =	shalt  }
0x41: {  	_ =	shalt  }
0x42: {  	_ =	shalt  }
0x43: {  	_ =	shalt  }
0x44: {  	_ =	shalt  }
0x45: {  	_ =	shalt  }
0x46: {  	_ =	shalt  }
0x47: {  	_ =	shalt  }
0x48: {  	_ =	shalt  }
0x49: {  	_ =	shalt  }
0x4a: {  	_ =	shalt  }
0x4b: {  	_ =	shalt  }
0x4c: {  	_ =	shalt  }
0x4d: {  	_ =	shalt  }
0x4e: {  	_ =	shalt  }
0x4f: {  	_ =	shalt  }
0x50: {  	_ =	shalt  }
0x51: {  	_ =	shalt  }
0x52: {  	_ =	shalt  }
0x53: {  	_ =	shalt  }
0x54: {  	_ =	shalt  }
0x55: {  	_ =	shalt  }
0x56: {  	_ =	shalt  }
0x57: {  	_ =	shalt  }
0x58: {  	_ =	shalt  }
0x59: {  	_ =	shalt  }
0x5a: {  	_ =	shalt  }
0x5b: {  	_ =	shalt  }
0x5c: {  	_ =	shalt  }
0x5d: {  	_ =	shalt  }
0x5e: {  	_ =	shalt  }
0x5f: {  	_ =	shalt  }
0x60: {  	_ =	shalt  }
0x61: {  	_ =	shalt  }
0x62: {  	_ =	shalt  }
0x63: {  	_ =	shalt  }
0x64: {  	_ =	shalt  }
0x65: {  	_ =	shalt  }
0x66: {  	_ =	shalt  }
0x67: {  	_ =	shalt  }
0x68: {  	_ =	shalt  }
0x69: {  	_ =	shalt  }
0x6a: {  	_ =	shalt  }
0x6b: {  	_ =	shalt  }
0x6c: {  	_ =	shalt  }
0x6d: {  	_ =	shalt  }
0x6e: {  	_ =	shalt  }
0x6f: {  	_ =	shalt  }
0x70: {  	_ =	shalt  }
0x71: {  	_ =	shalt  }
0x72: {  	_ =	shalt  }
0x73: {  	_ =	shalt  }
0x74: {  	_ =	shalt  }
0x75: {  	_ =	shalt  }
0x76: {  	_ =	shalt  }
0x77: {  	_ =	shalt  }
0x78: {  	_ =	shalt  }
0x79: {  	_ =	shalt  }
0x7a: {  	_ =	shalt  }
0x7b: {  	_ =	shalt  }
0x7c: {  	_ =	shalt  }
0x7d: {  	_ =	shalt  }
0x7e: {  	_ =	shalt  }
0x7f: {  	_ =	shalt  }
0x80: {  	_ =	shalt  }
0x81: {  	_ =	shalt  }
0x82: {  	_ =	shalt  }
0x83: {  	_ =	shalt  }
0x84: {  	_ =	shalt  }
0x85: {  	_ =	shalt  }
0x86: {  	_ =	shalt  }
0x87: {  	_ =	shalt  }
.Lfunc_end0:
.L_simem_size_0:
called_computation_lowered:
.L_overlay_start_0:
0x88: {  	s2 =	sld [smem:$0x3FD9]  }
0x89: {  	s3 =	sld [smem:$0x3FFE];
	_ =	sdelay $0x1  }
0x8a: {  	s1 =	srdreg.scid  }
0x8b: {  	s0 =	sand.u32 $0x1, s1  }
0x8c: {  	s14 =	sshll.u32 s0, $0xA;
	s2 =	sadd.s32 s3, s2  }
0x8d: {  	s2 =	sadd.s32 s2, s14  }
0x8e: {  	[smem:$0x3FC4] =	sst s2  }
0x8f: {  	_ = 	snop  }
0x90: {  	s2 =	sld [smem:$0x3FD0];
	_ =	sdelay $0x2  }
0x91: {  	s15 =	simm.s32 $0xA;
	s4 =	simm.s32 $0x10  }
0x92: {  	[smem:s4], [sflag:s15] =	dma.local [hbm:s2], $0x1  }
0x93: {  	_ =	swait.eq [sflag:s15], $0x1  }
0x94: {  	[sflag:s15] =	ssyncset.done $0x0  }
0x95: {  	[sflag:s15] =	ssyncadd.s32 $0xFFFFFFFF  }
0x96: {  	s16 =	sld [smem:$0x10];
	(tm) =	ssettm $0x1  }
0x97: {  	s17 =	sld [smem:$0x3FFB];
	_ =	sdelay $0x3  }
0x98: {  	_ =	strace s17  }
0x99: {  	s3 =	sld [smem:$0x3FFC];
	_ =	sdelay $0x3  }
0x9a: {  	_ =	strace s3  }
0x9b: {  	s3 =	sld [smem:$0x3FFD];
	_ =	sdelay $0x3  }
0x9c: {  	_ =	strace s3  }
0x9d: {  	_ =	strace $0x8FFFFFFF  }
0x9e: {  	s18 =	sld [smem:$0x3FDB];
	_ =	sdelay $0x1  }
0x9f: {  	s19 =	simm.s32 $_scs_section_size  }
0xa0: {  	s5 =	simm.s32 $_size__tile_overlayer_lowered;
	s6 =	simm.s32 $_tile_overlayer_lowered  }
0xa1: {  	s22 =	simm.s32 $0x1BFF;
	s21 =	sshll.u32 s6, $0x1;
	s3 =	sadd.s32 s19, s18  }
0xa2: {  	s7 =	simm.s32 $0x0;
	s20 =	sshll.u32 s5, $0x1;
	s5 =	sadd.s32 s21, s3  }
0xa3: {  	[timem:s7], [sflag:s22] =	dma.local [hbm:s5], s20  }
0xa4: {  	_ =	swait.ge [sflag:s22], s20  }
0xa5: {  	s4 =	ssub.s32 $0x0, s20;
	[sflag:s22] =	ssyncset.done $0x0  }
0xa6: {  	[sflag:s22] =	ssyncadd.s32 s4;
	_ =	sdelay $0x1  }
0xa7: {  	s23 =	simm.s32 $0x1B8B  }
0xa8: {  	_ =	swait.ge [sflag:s23], $0x1  }
0xa9: {  	[sflag:s23] =	ssyncset.done $0x0  }
0xaa: {  	s25 =	simm.s32 $0x1B8E;
	s24 =	sld [smem:$0x3FFE];
	[sflag:s23] =	ssyncadd.s32 $0xFFFFFFFF  }
0xab: {  	s26 =	simm.s32 $execute0_lowered;
	[smem:$0x3FD2] =	sst s25  }
0xac: {  	s5 =	sshll.u32 s26, $0x1;
	_ =	strace $0x80000049;
	[dreg:$0x1] =	wrdreg $0xFFFFFFFF  }
0xad: {  	s28 =	simm.s32 $_size_execute0_lowered;
	s3 =	sadd.s32 s3, s5;
	[dreg:$0x0] =	wrdreg $0x0  }
0xae: {  	s5 =	sshll.u32 s28, $0x1;
	[dreg:$0x2] =	wrdreg s3  }
0xaf: {  	[dreg:$0x3] =	wrdreg s5  }
0xb0: {  	[dreg:$0x4] =	wrdreg $0xC0  }
0xb1: {  	_ =	task [dreg:s7], $0x5FFFF  }
0xb2: {  	[dreg:$0x1] =	wrdreg $0xFFFFFFFF  }
0xb3: {  	[dreg:$0x0] =	wrdreg $0x60  }
0xb4: {  	[dreg:$0x2] =	wrdreg s24  }
0xb5: {  	[dreg:$0x3] =	wrdreg s16  }
0xb6: {  	[dreg:$0x4] =	wrdreg $0x9  }
0xb7: {  	_ =	task.clear_ibuf [dreg:s7], $0x5FFFF;
	_ =	strace $0x90000049  }
0xb8: {  	s29 =	simm.s32 $0x9;
	_ =	strace $0x8000004B  }
0xb9: {  	_ =	swait.ge [sflag:s29], $0x1  }
0xba: {  	[sflag:s29] =	ssyncadd.s32 $0xFFFFFFFF  }
0xbb: {  	_ =	strace $0x9000004B  }
0xbc: {  	_ =	sfence  }
0xbd: {  	s30 =	sld [smem:$0x0];
	_ =	sdelay $0x2  }
0xbe: {  	s31 =	sshll.u32 s1, $0xD;
	s1 =	sshrl.u32 s1, $0x2  }
0xbf: {  	s3 =	sand.u32 $0x4000, s31;
	s1 =	sadd.s32 s1, s30  }
0xc0: {  	s0 =	sor.u32 s3, s0;
	s1 =	sshll.u32 s1, $0x11  }
0xc1: {  	s0 =	sor.u32 s1, s0  }
0xc2: {  	s0 =	sadd.s32 $0x8F2B, s0  }
0xc3: {  	[sflag:s0] =	ssyncadd.remote.s32 $0x1  }
0xc4: {  	_ =	sfence.sel $0xFFFF  }
0xc5: {  	[dreg:$0x0] =	wrdreg $0xFFFFFFFF;
	(pc) =	sbr.abs _section_cstart, $3  }
0xc6: {  	[dreg:$0x1] =	wrdreg $0xFFFFFFFF  }
0xc7: {  	_ =	task.clear_ibuf [dreg:s7], $0x2FFFF;
	_ =	strace $0x9FFFFFFF  }
0xc8: {  	(tm) =	ssettm $0x7FFFFFFF  }
0xc9: {  	_ =	shalt  }
tec
execute0_lowered:
.L_overlay_start_1:
0x0: {  	(tag) =	ssettag $0x1  }
0x1: {  	s1 =	srdreg.scid;
	s2 =	rddreg [dreg:$0x0]  }
0x2: {  	s0 =	stileid.u32;
	s3 =	rddreg [dreg:$0x1]  }
0x3: {  	s6 =	simm.s32 $0x1;
	s9 =	simm.s32 $0x1;
	s1 =	sshll.u32 s1, $0xD  }
0x4: {  	s10 =	simm.s32 $0x3;
	s4 =	sshll.u32 s0, $0xE;
	s5 =	sand.u32 $0x2000, s1  }
0x5: {  	s13 =	simm.s32 $0x0;
	s12 =	simm.s32 $0x0;
	s4 =	sor.u32 s4, s5  }
0x6: {  	s1 =	rddreg [dreg:$0x2];
	_ =	strace $0x8000004A;
	s8 =	ssub.s32 $0x80000, s4  }
.Ltmp0:
0x7: {  	s5 =	sadd.s32 $0x20C00, s2;
	s7 =	sand.u32 $0x3E000, s8;
	(pc) =	sbr.rel .LBB2_1-.Ltmp0, $4  }
0x8: {  	[sflag:s6] =	ssyncpa.u1 $0x0;
	s11 =	smov.u32 s4;
	p0 =	sne.s32 s7, $0x0  }
0x9: {  	s8 =	sshrl.u32 s8, $0x12;
	s7 =	simm.s32 $0x2;
	s9 =	simm.s32 @!p0 $0x0  }
0xa: {  	[sflag:s7] =	ssyncpa.u1 $0x0;
	p0 =	por $0x0, $0x0;
	s8 =	sadd.s32 s9, s8  }
0xb: {  	vm0 =	vmmov $0xffff;
	[sflag:s10] =	ssyncpa.u1 $0x0;
	s10 =	simm.s32 $0x0;
	s9 =	sadd.s32 $0x1, s8  }
.LBB2_4:
0xc: {  	v3 =	vand.u32 $0x1F, v3;
	v4 =	vshll.u32 v0, $0x12;
	v62 =	vshll.u32 v0, $0xE  }
0xd: {  	v2 =	vand.u32 $0x7FF, v2;
	v4 =	vand.u32 $0xC0000, v4;
	v0 =	vand.u32 $0x30000, v62  }
0xe: {  	v3 =	vsel vm1, $0xFFFFFFFF, v3;
	v2 =	vsel vm1, $0xFFFFFFFF, v2;
	v0 =	vor.u32 v0, v4  }
0xf: {  	v63 =	vand.u32 $0x7F, v2;
	v5 =	vshll.u32 v3, $0xB;
	v0 =	vsel vm1, $0xFFFB0000, v0  }
0x10: {  	v2 =	vshll.u32 v2, $0x3;
	v5 =	vand.u32 $0xFFFFC000, v5;
	v0 =	vor.u32 v0, v63  }
0x11: {  	v3 =	vshll.u32 v3, $0x7;
	v2 =	vand.u32 $0xFFFFFC00, v2;
	v0 =	vadd.s32 v5, v0  }
0x12: {  	v3 =	vand.u32 $0x380, v3;
	v0 =	vadd.s32 v2, v0  }
0x13: {  	v0 =	vor.u32 v3, v0;
	_ =	sdelay $0x1  }
0x14: {  	(ifvalue) =	ssetifvalue $0x7FFFFFFF;
	s14 =	sadd.s32 $0x10, s14  }
0x15: {  	[tilespmem:s14], [sflag:$0x1] =	stream.indirect_vreg.gather [hbm4b:s2+s10], $0x1, v1, vm0, $0x4038;
	[tilespmem:$0x8000] =	vst v63  }
0x16: {  	(ifvalue) =	ssetifvalue $0x7FFFFFFF;
	s14 =	sadd.s32 $0x10, s14  }
0x17: {  	[tilespmem:s14], [sflag:$0x1] =	stream.indirect_vreg.gather [hbm4b:s2+s10], $0x1, v0, vm0, $0x4038;
	[tilespmem:$0x8000] =	vst v63  }
0x18: {  	_ =	swait.ge [sflag:s6], $0x2000  }
0x19: {  	s30 =	sshrl.u32 s13, $0x3;
	[sflag:s6] =	ssyncset.done $0x0  }
0x1a: {  	s31 =	sand.u32 $0x7, s13;
	s14 =	sadd.s32 s5, s30;
	[sflag:s6] =	ssyncadd.s32 $0xFFFFE000  }
0x1b: {  	[hbm4b:s14+s31] =	stream.linear.scatter [tilespmem:s15], [sflag:$0x3], $0x2000, $0x38;
	[tilespmem:$0x8000] =	vst v63  }
.LBB2_5:
0x1c: {  	s15 =	sadd.s32 $0x40000, s11  }
0x1d: {  	p2 =	sgt.s32 s15, $0x7FFFF  }
0x1e: {  	s15 =	smov.u32 @p2 s4;
	p2 =	sne.s32 s12, s9  }
.Ltmp1:
0x1f: {  	p1 =	slt.u32 s12, $0x2;
	(pc) =	sbr.rel @!p2 .LBB2_6-.Ltmp1, $4  }
0x20: {  	s14 =	simm.s32 @!p1 $0x3  }
0x21: {  	s16 =	sadd.s32 $0x1, s12;
	_ =	swait.ge @!p1 [sflag:s14], $0x2000  }
0x22: {  	s13 =	smov.u32 s11;
	p0 =	por !p0, !p0;
	[sflag:s14] =	ssyncset.done @!p1 $0x0  }
0x23: {  	s12 =	smov.u32 s16;
	s11 =	smov.u32 s15;
	[sflag:s14] =	ssyncadd.s32 @!p1 $0xFFFFE000  }
.LBB2_1:
0x24: {  	p1 =	sge.u32 s12, s8  }
0x25: {  	s14 =	sxor.u32 @!p1 $0xFFFFFFFF, s12  }
0x26: {  	s31 =	sadd.s32 $0xFFFFFFFF, s12;
	s15 =	sshrl.u32 @!p1 s11, $0x3;
	s14 =	sshll.u32 @!p1 s14, $0xD  }
0x27: {  	s16 =	sand.u32 @!p1 $0x7, s11;
	s15 =	sadd.s32 @!p1 s3, s15;
	s14 =	sand.u32 @!p1 $0x2000, s14  }
0x28: {  	[tilespmem:s14], [sflag:$0x2] =	stream.linear.gather @!p1 [hbm4b:s15+s16], $0x2000, $0x38;
	[tilespmem:$0x8000] =	vst v63  }
0x29: {  	p1 =	sge.u32 s31, s8  }
.Ltmp2:
0x2a: {  	_ = 	snop;
	(pc) =	sbr.rel @p1 .LBB2_5-.Ltmp2, $1  }
0x2b: {  	_ =	sdelay $0x3  }
0x2c: {  	s14 =	simm.s32 $0x1  }
0x2d: {  	_ =	swait.ge [sflag:s7], $0x2000;
	s14 =	simm.s32 @!p0 $0x0  }
0x2e: {  	[sflag:s7] =	ssyncset.done $0x0;
	s14 =	sshll.u32 s14, $0xD  }
0x2f: {  	[sflag:s7] =	ssyncadd.s32 $0xFFFFE000;
	(ifvalue) =	ssetifvalue $0x7FFFFFFF;
	v0 =	vld.msk [tilespmem:s14+$0x0 ss:$0x1], $0xffff;
	_ =	sdelay $0x3  }
0x30: {  	s15 =	sadd.s32 $0x10, s14  }
0x31: {  	v4 =	vld.msk [tilespmem:s15+$0x0 ss:$0x1], $0xffff;
	vm1 =	veq.s32 v0, $0x80000000;
	v1 =	vshrl.u32 v0, $0x4;
	v2 =	vshrl.u32 v0, $0x9  }
0x32: {  	v3 =	vshll.u32 v0, $0x12;
	v0 =	vshll.u32 v0, $0xE;
	v1 =	vand.u32 $0x1F, v1  }
0x33: {  	v2 =	vand.u32 $0x7FF, v2;
	v3 =	vand.u32 $0xC0000, v3;
	v0 =	vand.u32 $0x30000, v0  }
0x34: {  	v1 =	vsel vm1, $0xFFFFFFFF, v1;
	v2 =	vsel vm1, $0xFFFFFFFF, v2;
	v0 =	vor.u32 v0, v3  }
0x35: {  	v3 =	vand.u32 $0x7F, v2;
	v0 =	vsel vm1, $0xFFFB0000, v0;
	v5 =	vshll.u32 v1, $0xB  }
0x36: {  	v2 =	vshll.u32 v2, $0x3;
	v1 =	vshll.u32 v1, $0x7;
	vm1 =	veq.s32 v4, $0x80000000  }
0x37: {  	v5 =	vand.u32 $0xFFFFC000, v5;
	v0 =	vor.u32 v0, v3;
	v2 =	vand.u32 $0xFFFFFC00, v2  }
0x38: {  	v1 =	vand.u32 $0x380, v1;
	v3 =	vshrl.u32 v4, $0x9;
	v0 =	vadd.s32 v5, v0  }
0x39: {  	v5 =	vshll.u32 v4, $0x12;
	v3 =	vand.u32 $0x7FF, v3;
	v0 =	vadd.s32 v2, v0  }
0x3a: {  	s17 =	sadd.s32 $0x10, s15;
	v2 =	vshrl.u32 v4, $0x4;
	v4 =	vshll.u32 v4, $0xE;
	v1 =	vor.u32 v1, v0  }
0x3b: {  	v5 =	vand.u32 $0xC0000, v5;
	v2 =	vand.u32 $0x1F, v2;
	v0 =	vld.msk [tilespmem:s17+$0x0 ss:$0x1], $0xffff;
	v4 =	vand.u32 $0x30000, v4  }
0x3c: {  	v3 =	vsel vm1, $0xFFFFFFFF, v3;
	v2 =	vsel vm1, $0xFFFFFFFF, v2;
	v4 =	vor.u32 v4, v5  }
0x3d: {  	v5 =	vand.u32 $0x7F, v3;
	v4 =	vsel vm1, $0xFFFB0000, v4;
	v6 =	vshll.u32 v2, $0xB  }
0x3e: {  	s31 =	sshll.u32 s12, $0xD;
	s14 =	sor.u32 $0x4000, s14;
	(ifvalue) =	ssetifvalue $0x7FFFFFFF;
	v3 =	vshll.u32 v3, $0x3;
	v6 =	vand.u32 $0xFFFFC000, v6;
	v4 =	vor.u32 v4, v5  }
0x3f: {  	v2 =	vshll.u32 v2, $0x7;
	[tilespmem:s14], [sflag:$0x1] =	stream.indirect_vreg.gather [hbm4b:s2+s10], $0x1, v1, vm0, $0x4038;
	v1 =	vand.u32 $0xFFFFFC00, v3;
	v3 =	vadd.s32 v6, v4;
	[tilespmem:$0x8000] =	vst v63  }
0x40: {  	s15 =	sand.u32 $0x2000, s31;
	vm1 =	veq.s32 v0, $0x80000000;
	v4 =	vand.u32 $0x380, v2;
	v1 =	vadd.s32 v1, v3  }
0x41: {  	s16 =	simm.s32 $0x20;
	s15 =	sor.u32 $0x4000, s15;
	s17 =	sadd.s32 $0x10, s17;
	v2 =	vshrl.u32 v0, $0x9;
	v3 =	vshrl.u32 v0, $0x4;
	v1 =	vor.u32 v4, v1  }
.LBB2_3:
0x42: {  	v3 =	vand.u32 $0x1F, v3;
	v4 =	vshll.u32 v0, $0x12;
	v5 =	vshll.u32 v0, $0xE;
	v0 =	vld.msk [tilespmem:s17+$0x0 ss:$0x1], $0xffff  }
0x43: {  	v2 =	vand.u32 $0x7FF, v2;
	s16 =	sadd.s32 $0x10, s16;
	v4 =	vand.u32 $0xC0000, v4;
	v5 =	vand.u32 $0x30000, v5  }
0x44: {  	v3 =	vsel vm1, $0xFFFFFFFF, v3;
	v2 =	vsel vm1, $0xFFFFFFFF, v2;
	p1 =	slt.u32 s16, $0x1FF0;
	v4 =	vor.u32 v5, v4  }
.Ltmp3:
0x45: {  	s14 =	sadd.s32 $0x10, s14;
	v5 =	vand.u32 $0x7F, v2;
	v6 =	vshll.u32 v3, $0xB;
	v4 =	vsel vm1, $0xFFFB0000, v4;
	(ifvalue) =	ssetifvalue $0x7FFFFFFF;
	(pc) =	sbr.rel @p1 .LBB2_3-.Ltmp3, $4  }
0x46: {  	v2 =	vshll.u32 v2, $0x3;
	v6 =	vand.u32 $0xFFFFC000, v6;
	v4 =	vor.u32 v4, v5;
	[tilespmem:s14], [sflag:$0x1] =	stream.indirect_vreg.gather [hbm4b:s2+s10], $0x1, v1, vm0, $0x4038;
	[tilespmem:$0x8000] =	vst v63  }
0x47: {  	v1 =	vand.u32 $0xFFFFFC00, v2;
	v2 =	vshll.u32 v3, $0x7;
	v3 =	vadd.s32 v6, v4  }
0x48: {  	vm1 =	veq.s32 v0, $0x80000000;
	v4 =	vand.u32 $0x380, v2;
	v1 =	vadd.s32 v1, v3  }
0x49: {  	s17 =	sadd.s32 $0x10, s17;
	v2 =	vshrl.u32 v0, $0x9;
	v3 =	vshrl.u32 v0, $0x4;
	v1 =	vor.u32 v4, v1  }
.Ltmp4:
0x4a: {  	_ = 	snop;
	(pc) =	sbr.rel .LBB2_4-.Ltmp4, $1  }
0x4b: {  	_ =	sdelay $0x3  }
.LBB2_6:
0x4c: {  	_ =	sfence.sel $0x180000  }
0x4d: {  	s2 =	simm.s32 $0x2;
	[bflag:$0x0] =	sbarrier.arrive $0xFFFF  }
0x4e: {  	s30 =	simm.s32 $0x3;
	[sflag:s2] =	ssyncpa.u1 $0x1  }
0x4f: {  	s31 =	simm.s32 $0x1;
	[sflag:s30] =	ssyncpa.u1 $0x1  }
0x50: {  	[sflag:s31] =	ssyncpa.u1 $0x1  }
0x51: {  	p0 =	sne.s32 s0, $0x0;
	_ =	strace $0x9000004A  }
0x52: {  	s0 =	sadd.s32 @!p0 $0x100000, s1;
	[bflag:$0x2] =	sbarrier.arrive $0xFFFF  }
0x53: {  	[sflag:s0] =	ssyncadd.tile.s32 @!p0 $0x1;
	_ =	shalt  }
.Lfunc_end2:
_tile_overlayer_lowered:
.L_overlay_start_2:
0x54: {  	(tag) =	ssettag $0x2  }
0x55: {  	s0 =	rddreg [dreg:$0x0];
	s2 =	stileid.u32  }
0x56: {  	s1 =	rddreg [dreg:$0x1];
	p0 =	sne.s32 s2, $0x0  }
0x57: {  	s3 =	rddreg [dreg:$0x2];
	[bflag:$0x3] =	sbarrier.arrive $0xFFFF;
	s2 =	simm.s32 @!p0 $0x1C01  }
0x58: {  	[timem:s3], [sflag:s2] =	dma.local @!p0 [hbm:s0], s1  }
0x59: {  	s0 =	simm.s32 @!p0 $0x1  }
0x5a: {  	_ =	swait.ge @!p0 [sflag:s0], s1  }
0x5b: {  	s1 =	ssub.s32 @!p0 $0x0, s1;
	[sflag:s0] =	ssyncset.done @!p0 $0x0  }
0x5c: {  	[sflag:s0] =	ssyncadd.s32 @!p0 s1  }
0x5d: {  	[bflag:$0x3] =	sbarrier.arrive $0xFFFF  }
0x5e: {  	_ =	shalt  }

</sc_bundles>
